<compile_context>
chip_gen: v7x
topology: tpu7x:2x2x1
jax: 0.10.2.dev20260603
libtpu: 0.0.44.dev20260713+nightly
codegen_flags: <defaults>
</compile_context>

<pallas_src>
import functools

import numpy as np
import jax
import jax.numpy as jnp
from jax import lax
from jax.experimental import pallas as pl
from jax.experimental.pallas import tpu as pltpu
from jax.experimental.pallas import tpu_sc as plsc

_EMPTY = 16
_HEIGHT = 16
_CHOOSE = 4000
_NB = 4
_CELLS = 40000
_C = 17
_ROW = _HEIGHT * _C

_SC_CORES = 2
_SC_SUBCORES = 16
_NW = _SC_CORES * _SC_SUBCORES
_RPB = 4096
_RPW = _RPB // _NW
_NROWS = _NB * _RPB

_CR = 512
_NCH = _RPB // _CR
_LOG_RATIO = float(np.log(1.0 / 3.0))


def _rotl32(x, r):
    return ((x << np.uint32(r)) | (x >> np.uint32(32 - r))).astype(np.uint32)


def _threefry_block(key, x0, x1):
    x0 = np.asarray(x0, np.uint32).copy()
    x1 = np.asarray(x1, np.uint32).copy()
    ks0 = np.uint32(key[0])
    ks1 = np.uint32(key[1])
    ks = [ks0, ks1, np.uint32(ks0 ^ ks1 ^ np.uint32(0x1BD11BDA))]
    rotations = [(13, 15, 26, 6), (17, 29, 16, 24)]
    x0 = (x0 + ks0).astype(np.uint32)
    x1 = (x1 + ks1).astype(np.uint32)
    for i in range(5):
        for r in rotations[i % 2]:
            x0 = (x0 + x1).astype(np.uint32)
            x1 = _rotl32(x1, r)
            x1 = (x1 ^ x0).astype(np.uint32)
        x0 = (x0 + ks[(i + 1) % 3]).astype(np.uint32)
        x1 = (x1 + ks[(i + 2) % 3] + np.uint32(i + 1)).astype(np.uint32)
    return x0, x1


def _fold_in(key, data):
    o0, o1 = _threefry_block(key, np.zeros(1, np.uint32),
                             np.full(1, data, np.uint32))
    return np.array([o0[0], o1[0]], dtype=np.uint32)


def _split2(key):
    o0, o1 = _threefry_block(key, np.zeros(2, np.uint32),
                             np.arange(2, dtype=np.uint32))
    return np.stack([o0, o1], axis=1)


def _bits32(key, n):
    o0, o1 = _threefry_block(key, np.zeros(n, np.uint32),
                             np.arange(n, dtype=np.uint32))
    return (o0 ^ o1).astype(np.uint32)


def _permutation(key, n):
    x = np.arange(n, dtype=np.int32)
    num_rounds = int(np.ceil(3 * np.log(max(1, n)) / np.log(2**32 - 1)))
    for _ in range(num_rounds):
        ks = _split2(key)
        key, subkey = ks[0], ks[1]
        order = np.argsort(_bits32(subkey, n), kind="stable")
        x = x[order]
    return x


def _selected_rows() -> np.ndarray:
    perm_key = np.array([0, 42], dtype=np.uint32)
    rows = np.zeros((_NB, _RPB), dtype=np.int32)
    for bs in range(_NB):
        sel = _permutation(_fold_in(perm_key, bs), _CELLS)[:_CHOOSE]
        rows[bs, :_CHOOSE] = sel + bs * _CELLS
        rows[bs, _CHOOSE:] = bs * _CELLS
    return rows.reshape(-1)


_ROWS_IDX = _selected_rows()


def _sc_gather_body(pred_hbm, lab_hbm, idx_hbm, pred_out, lab_out, cnt_out,
                    idx_v, rows_v, lab_v, cnt_v, sem_p, sem_l):
    cid = lax.axis_index("c")
    sid = lax.axis_index("s")
    wid = sid * _SC_CORES + cid
    for bs in range(_NB):
        base = bs * _RPB + wid * _RPW
        pltpu.sync_copy(idx_hbm.at[pl.ds(base, _RPW)], idx_v)
        cp_p = pltpu.async_copy(pred_hbm.at[idx_v], rows_v, sem_p)
        cp_l = pltpu.async_copy(lab_hbm.at[idx_v], lab_v, sem_l)
        cp_l.wait()
        row0 = wid * _RPW
        nrows = jnp.clip(_CHOOSE - row0, 0, _RPW)

        def count_step(i, acc):
            lab = lab_v[i]
            return acc + jnp.minimum(_EMPTY - lab, 1)

        counts = lax.fori_loop(0, nrows, count_step,
                               jnp.zeros((_HEIGHT,), jnp.int32))
        cnt_v[...] = counts.astype(jnp.float32)
        cp_p.wait()
        pltpu.sync_copy(rows_v, pred_out.at[pl.ds(base, _RPW)])
        pltpu.sync_copy(lab_v, lab_out.at[pl.ds(base, _RPW)])
        pltpu.sync_copy(cnt_v, cnt_out.at[bs * _NW + wid])


@functools.cache
def _build_sc_gather():
    return functools.partial(
        pl.kernel,
        out_type=[
            jax.ShapeDtypeStruct((_NROWS, _ROW), jnp.float32),
            jax.ShapeDtypeStruct((_NROWS, _HEIGHT), jnp.int32),
            jax.ShapeDtypeStruct((_NB * _NW, _HEIGHT), jnp.float32),
        ],
        mesh=plsc.VectorSubcoreMesh(core_axis_name="c", subcore_axis_name="s"),
        scratch_types=[
            pltpu.VMEM((_RPW,), jnp.int32),
            pltpu.VMEM((_RPW, _ROW), jnp.float32),
            pltpu.VMEM((_RPW, _HEIGHT), jnp.int32),
            pltpu.VMEM((_HEIGHT,), jnp.float32),
            pltpu.SemaphoreType.DMA,
            pltpu.SemaphoreType.DMA,
        ],
        compiler_params=pltpu.CompilerParams(use_tc_tiling_on_sc=False),
    )(_sc_gather_body)


def _sc_gather(pred_flat, lab_flat, idx):
    return _build_sc_gather()(pred_flat, lab_flat, idx)


def _tc_loss_body(pred_ref, lab_ref, cnt_ref, out_ref, acc_ref):
    b = pl.program_id(0)
    c = pl.program_id(1)

    @pl.when(jnp.logical_and(b == 0, c == 0))
    def _():
        acc_ref[2] = 0.0

    @pl.when(c == 0)
    def _():
        acc_ref[0] = 0.0
        acc_ref[1] = 0.0

    x = pred_ref[...]
    lab = lab_ref[...]

    counts = jnp.sum(cnt_ref[...], axis=0, keepdims=True)
    maxc = jnp.maximum(jnp.max(counts), 1.0)
    w = jnp.where(counts > 0.0,
                  3.0 * jnp.exp((counts / maxc) * _LOG_RATIO),
                  0.0)

    li = lax.broadcasted_iota(jnp.int32, (_ROW, _HEIGHT), 0)
    hi = lax.broadcasted_iota(jnp.int32, (_ROW, _HEIGHT), 1)
    grp = (li // _C == hi).astype(jnp.float32)
    lit = lax.broadcasted_iota(jnp.int32, (_HEIGHT, _ROW), 1)
    hit = lax.broadcasted_iota(jnp.int32, (_HEIGHT, _ROW), 0)
    grp_t = (lit // _C == hit).astype(jnp.float32)
    cls = (lax.broadcasted_iota(jnp.int32, (1, _ROW), 1) % _C
           ).astype(jnp.float32)

    e = jnp.exp(x)
    labf = lab.astype(jnp.float32)
    lab_e = jax.lax.dot(labf, grp_t,
                        preferred_element_type=jnp.float32)
    onehot = (cls == lab_e).astype(jnp.float32)
    num = jax.lax.dot(e * onehot, grp,
                      preferred_element_type=jnp.float32)
    den = jax.lax.dot(e, grp,
                      preferred_element_type=jnp.float32)
    p = num / den
    wp = w * jnp.log(p + 0.001)
    awp = jnp.abs(wp)
    elem = jnp.where(awp < 1.0, 0.5 * wp * wp, awp - 0.5)

    rowid = c * _CR + lax.broadcasted_iota(jnp.int32, (_CR, _HEIGHT), 0)
    vf = jnp.logical_and(lab != _EMPTY, rowid < _CHOOSE).astype(jnp.float32)
    acc_ref[0] += jnp.sum(elem * vf)
    acc_ref[1] += jnp.sum(vf)

    @pl.when(c == _NCH - 1)
    def _():
        acc_ref[2] += acc_ref[0] / acc_ref[1]

        @pl.when(b == _NB - 1)
        def _():
            out_ref[0, 0] = acc_ref[2] * (1.0 / _NB)


def _tc_loss(pred_g, lab_g, cnt):
    return pl.pallas_call(
        _tc_loss_body,
        grid=(_NB, _NCH),
        in_specs=[
            pl.BlockSpec((_CR, _ROW), lambda b, c: (b * _NCH + c, 0)),
            pl.BlockSpec((_CR, _HEIGHT), lambda b, c: (b * _NCH + c, 0)),
            pl.BlockSpec((_NW, _HEIGHT), lambda b, c: (b, 0)),
        ],
        out_specs=pl.BlockSpec(memory_space=pltpu.SMEM),
        out_shape=jax.ShapeDtypeStruct((1, 1), jnp.float32),
        scratch_shapes=[pltpu.SMEM((3,), jnp.float32)],
        compiler_params=pltpu.CompilerParams(
            dimension_semantics=("arbitrary", "arbitrary")),
    )(pred_g, lab_g, cnt)


def kernel(preds, labels):
    pred_flat = preds.reshape(_NB * _CELLS, _ROW)
    lab_flat = labels.reshape(_NB * _CELLS, _HEIGHT)
    idx = jnp.asarray(_ROWS_IDX)
    pred_g, lab_g, cnt = _sc_gather(pred_flat, lab_flat, idx)
    loss = _tc_loss(pred_g, lab_g, cnt)
    return loss[0, 0]

# --- scband reference (transcript-rebuilt; emitter-appended) ---
"""Pipeline reference for scband-height-voxel-loss-27934467293391 (READ-ONLY COPY).

The authoritative reference and input builder live on the scoring server;
editing this copy changes nothing except your own understanding.
"""

import jax, jax.numpy as jnp
import numpy as np

EMPTY_LABEL = 16
HEIGHT = 16
CHOOSE = 4000
MIN_W = 1.0
MAX_W = 3.0
H = 200
W = 200


def setup_inputs(seed: int = 0) -> dict:
    key = jax.random.key(seed)
    k1, k2 = jax.random.split(key)
    preds = jax.random.normal(k1, (4, 200, 200, 16, 17), dtype=jnp.float32)
    labels = jax.random.randint(k2, (4, 200, 200, 16), 0, 17, dtype=jnp.int32)
    return {"preds": preds, "labels": labels}


def _smooth_l1(x):
    ax = jnp.abs(x)
    return jnp.where(ax < 1.0, 0.5 * x * x, ax - 0.5)


def reference(preds, labels):
    B, X, Y, Z, C = preds.shape
    h = Z // HEIGHT
    perm_key = jax.random.key(42)
    loss = jnp.zeros((), dtype=preds.dtype)
    for bs in range(B):
        sel = jax.random.permutation(jax.random.fold_in(perm_key, bs), X * Y)[:CHOOSE]
        x_coords = sel // W
        y_coords = sel % W
        pred_fbg = preds[bs][x_coords, y_coords, :, :]           # (CHOOSE, Z, C)
        label_fbg = labels[bs][x_coords, y_coords, :]            # (CHOOSE, Z)
        pred_r = pred_fbg.reshape(CHOOSE, HEIGHT, h, C)
        label_r = label_fbg.reshape(CHOOSE, HEIGHT, h)
        valid = (label_r != EMPTY_LABEL)                         # (CHOOSE, HEIGHT, h)
        height_counts = valid.sum(axis=(0, 2)).astype(preds.dtype)  # (HEIGHT,)
        max_count = jnp.maximum(height_counts.max(), 1.0)
        ratio = MIN_W / MAX_W
        weights = jnp.where(height_counts > 0,
                            MAX_W * ratio ** (height_counts / max_count),
                            jnp.zeros((), dtype=preds.dtype))
        # softmax(pred - max) == softmax(pred), as in the original
        pred_max = jnp.max(pred_r, axis=-1, keepdims=True)
        shifted = pred_r - pred_max
        pred_prob = jax.nn.softmax(shifted, axis=-1)
        prob = jnp.take_along_axis(pred_prob, label_r[..., None], axis=-1)[..., 0]
        weighted_prob = weights[None, :, None] * jnp.log(prob + 0.001)
        elem = _smooth_l1(weighted_prob)
        vf = valid.astype(preds.dtype)
        total = jnp.sum(elem * vf)
        count = jnp.sum(vf)
        loss = loss + total / count
    return loss / B

if __name__ == "__main__":
    import jax
    _d = setup_inputs()
    print(jax.jit(kernel)(*tuple(_d.values())))

</pallas_src>

<mosaic_0001>
#map = affine_map<(d0, d1) -> (0, 0)>
#map1 = affine_map<(d0, d1) -> (0)>
module attributes {stable_mosaic.version = 14 : i64} {
  func.func @_sc_gather_body(%arg0: i32, %arg1: i32, %arg2: memref<160000x272xf32, #tpu.memory_space<hbm>>, %arg3: memref<160000x16xi32, #tpu.memory_space<hbm>>, %arg4: memref<16384xi32, #tpu.memory_space<hbm>>, %arg5: memref<16384x272xf32, #tpu.memory_space<hbm>>, %arg6: memref<16384x16xi32, #tpu.memory_space<hbm>>, %arg7: memref<128x16xf32, #tpu.memory_space<hbm>>, %arg8: memref<128xi32, #tpu.memory_space<vmem>>, %arg9: memref<128x272xf32, #tpu.memory_space<vmem>>, %arg10: memref<128x16xi32, #tpu.memory_space<vmem>>, %arg11: memref<16xf32, #tpu.memory_space<vmem>>, %arg12: memref<!tpu.dma_semaphore, #tpu.memory_space<semaphore_mem>>, %arg13: memref<!tpu.dma_semaphore, #tpu.memory_space<semaphore_mem>>) attributes {dimension_semantics = [#tpu.dimension_semantics<core_parallel>, #tpu.dimension_semantics<subcore_parallel>], iteration_bounds = array<i64: 2, 16>, scalar_prefetch = 0 : i64, scratch_operands = 6 : i64, tpu.core_type = #tpu.core_type<sc_vector_subcore>, window_params = [{transform_indices = #map}, {transform_indices = #map}, {transform_indices = #map1}, {transform_indices = #map}, {transform_indices = #map}, {transform_indices = #map}]} {
    %mul3A = arith.constant 2 : i32
    %mul3A_0 = arith.muli %arg1, %mul3A : i32
    %add3A = arith.addi %mul3A_0, %arg0 : i32
    %mul3A_1 = arith.constant 128 : i32
    %mul3A_2 = arith.muli %add3A, %mul3A_1 : i32
    %add3A_3 = arith.constant 0 : i32
    %add3A_4 = arith.addi %add3A_3, %mul3A_2 : i32
    "tpu.region"() ({
      %run_scoped3A = tpu.sem_alloc : memref<!tpu.dma_semaphore, #tpu.memory_space<semaphore_mem>>
      %dma_start3A_167 = tpu.memref_slice %arg4[%add3A_4] : memref<16384xi32, #tpu.memory_space<hbm>> -> memref<128xi32, #tpu.memory_space<hbm>>
      %dma_start3A_168 = tpu.memref_slice %arg4[%add3A_4] : memref<16384xi32, #tpu.memory_space<hbm>> -> memref<128xi32, #tpu.memory_space<hbm>>
      tpu.enqueue_dma source(%dma_start3A_168 : memref<128xi32, #tpu.memory_space<hbm>>) target(%arg8 : memref<128xi32, #tpu.memory_space<vmem>>) target_semaphore(%run_scoped3A : memref<!tpu.dma_semaphore, #tpu.memory_space<semaphore_mem>>)
      %dma_wait3A_169 = tpu.memref_slice %arg4[%add3A_4] : memref<16384xi32, #tpu.memory_space<hbm>> -> memref<128xi32, #tpu.memory_space<hbm>>
      %dma_wait3A_170 = tpu.memref_slice %arg4[%add3A_4] : memref<16384xi32, #tpu.memory_space<hbm>> -> memref<128xi32, #tpu.memory_space<hbm>>
      tpu.wait_dma2 semaphore(%run_scoped3A : memref<!tpu.dma_semaphore, #tpu.memory_space<semaphore_mem>>) src(%dma_wait3A_170 : memref<128xi32, #tpu.memory_space<hbm>>) dst(%arg8 : memref<128xi32, #tpu.memory_space<vmem>>)
      tpu.yield
    }) : () -> ()
    %dma_start3A = arith.constant 0 : i32
    %dma_start3A_5 = arith.constant 0 : i32
    %dma_start3A_6 = tpu.memref_slice %arg2[%dma_start3A, %dma_start3A_5] : memref<160000x272xf32, #tpu.memory_space<hbm>> -> memref<160000x272xf32, #tpu.memory_space<hbm>>
    tpu.enqueue_indirect_dma source(%dma_start3A_6 : memref<160000x272xf32, #tpu.memory_space<hbm>>) target(%arg9 : memref<128x272xf32, #tpu.memory_space<vmem>>) offsets(%arg8 : memref<128xi32, #tpu.memory_space<vmem>>) semaphore(%arg12 : memref<!tpu.dma_semaphore, #tpu.memory_space<semaphore_mem>>)
    %dma_start3A_7 = arith.constant 0 : i32
    %dma_start3A_8 = arith.constant 0 : i32
    %dma_start3A_9 = tpu.memref_slice %arg3[%dma_start3A_7, %dma_start3A_8] : memref<160000x16xi32, #tpu.memory_space<hbm>> -> memref<160000x16xi32, #tpu.memory_space<hbm>>
    tpu.enqueue_indirect_dma source(%dma_start3A_9 : memref<160000x16xi32, #tpu.memory_space<hbm>>) target(%arg10 : memref<128x16xi32, #tpu.memory_space<vmem>>) offsets(%arg8 : memref<128xi32, #tpu.memory_space<vmem>>) semaphore(%arg13 : memref<!tpu.dma_semaphore, #tpu.memory_space<semaphore_mem>>)
    %dma_wait3A = arith.constant 0 : i32
    %dma_wait3A_10 = arith.constant 0 : i32
    %dma_wait3A_11 = tpu.memref_slice %arg3[%dma_wait3A, %dma_wait3A_10] : memref<160000x16xi32, #tpu.memory_space<hbm>> -> memref<160000x16xi32, #tpu.memory_space<hbm>>
    tpu.wait_indirect_dma semaphore(%arg13 : memref<!tpu.dma_semaphore, #tpu.memory_space<semaphore_mem>>) src(%dma_wait3A_11 : memref<160000x16xi32, #tpu.memory_space<hbm>>) dst(%arg10 : memref<128x16xi32, #tpu.memory_space<vmem>>)
    %mul3A_12 = arith.constant 128 : i32
    %mul3A_13 = arith.muli %add3A, %mul3A_12 : i32
    %sub3A = arith.constant 4000 : i32
    %sub3A_14 = arith.subi %sub3A, %mul3A_13 : i32
    %jit3A = arith.constant 0 : i32
    %jit3A_15 = arith.constant 128 : i32
    %max3A = arith.maxsi %jit3A, %sub3A_14 : i32
    %min3A = arith.minsi %jit3A_15, %max3A : i32
    %broadcast_in_dim3A = arith.constant 0 : i32
    %broadcast_in_dim3A_16 = vector.broadcast %broadcast_in_dim3A : i32 to vector<16xi32>
    %while3A = arith.constant 0 : i32
    %while3A_17 = arith.subi %min3A, %while3A : i32
    %while3A_18 = arith.addi %while3A, %while3A_17 : i32
    %while3A_19 = arith.constant 1 : i32
    %while3A_20 = arith.divsi %while3A_17, %while3A_19 : i32
    %while3A_21 = arith.muli %while3A_20, %while3A_19 : i32
    %while3A_22 = arith.addi %while3A, %while3A_21 : i32
    %while3A_23 = arith.constant 1 : i32
    %while3A_24 = scf.for %while3A_167 = %while3A to %while3A_22 step %while3A_23 iter_args(%while3A_168 = %broadcast_in_dim3A_16) -> (vector<16xi32>)  : i32 {
      %get3A = arith.index_cast %while3A_167 : i32 to index
      %get3A_169 = arith.constant 0 : index
      %get3A_170 = tpu.vector_load %arg10[%get3A, %get3A_169] {strides = array<i32>} : memref<128x16xi32, #tpu.memory_space<vmem>>, vector<1x16xi32>,
      %get3A_171 = vector.shape_cast %get3A_170 : vector<1x16xi32> to vector<16xi32>
      %sub3A_172 = arith.constant 16 : i32
      %sub3A_173 = vector.broadcast %sub3A_172 : i32 to vector<16xi32>
      %sub3A_174 = arith.subi %sub3A_173, %get3A_171 : vector<16xi32>
      %min3A_175 = arith.constant 1 : i32
      %min3A_176 = vector.broadcast %min3A_175 : i32 to vector<16xi32>
      %min3A_177 = arith.minsi %sub3A_174, %min3A_176 : vector<16xi32>
      %add3A_178 = arith.addi %while3A_168, %min3A_177 : vector<16xi32>
      scf.yield %add3A_178 : vector<16xi32>
    }
    %while3A_25 = arith.constant 1 : i32
    %while3A_26 = scf.for %while3A_167 = %while3A_22 to %while3A_18 step %while3A_25 iter_args(%while3A_168 = %while3A_24) -> (vector<16xi32>)  : i32 {
      %get3A = arith.index_cast %while3A_167 : i32 to index
      %get3A_169 = arith.constant 0 : index
      %get3A_170 = tpu.vector_load %arg10[%get3A, %get3A_169] {strides = array<i32>} : memref<128x16xi32, #tpu.memory_space<vmem>>, vector<1x16xi32>,
      %get3A_171 = vector.shape_cast %get3A_170 : vector<1x16xi32> to vector<16xi32>
      %sub3A_172 = arith.constant 16 : i32
      %sub3A_173 = vector.broadcast %sub3A_172 : i32 to vector<16xi32>
      %sub3A_174 = arith.subi %sub3A_173, %get3A_171 : vector<16xi32>
      %min3A_175 = arith.constant 1 : i32
      %min3A_176 = vector.broadcast %min3A_175 : i32 to vector<16xi32>
      %min3A_177 = arith.minsi %sub3A_174, %min3A_176 : vector<16xi32>
      %add3A_178 = arith.addi %while3A_168, %min3A_177 : vector<16xi32>
      scf.yield %add3A_178 : vector<16xi32>
    }
    %convert_element_type3A = arith.sitofp %while3A_26 : vector<16xi32> to vector<16xf32>
    %swap3A = arith.constant 0 : index
    %swap3A_27 = tpu.vector_load %arg11[%swap3A] {strides = array<i32>} : memref<16xf32, #tpu.memory_space<vmem>>, vector<16xf32>,
    %swap3A_28 = vector.shape_cast %swap3A_27 : vector<16xf32> to vector<16xf32>
    %swap3A_29 = vector.shape_cast %convert_element_type3A : vector<16xf32> to vector<16xf32>
    tpu.vector_store %arg11[%swap3A], %swap3A_29 {strides = array<i32>} : memref<16xf32, #tpu.memory_space<vmem>>, vector<16xf32>,
    %dma_wait3A_30 = arith.constant 0 : i32
    %dma_wait3A_31 = arith.constant 0 : i32
    %dma_wait3A_32 = tpu.memref_slice %arg2[%dma_wait3A_30, %dma_wait3A_31] : memref<160000x272xf32, #tpu.memory_space<hbm>> -> memref<160000x272xf32, #tpu.memory_space<hbm>>
    tpu.wait_indirect_dma semaphore(%arg12 : memref<!tpu.dma_semaphore, #tpu.memory_space<semaphore_mem>>) src(%dma_wait3A_32 : memref<160000x272xf32, #tpu.memory_space<hbm>>) dst(%arg9 : memref<128x272xf32, #tpu.memory_space<vmem>>)
    "tpu.region"() ({
      %run_scoped3A = tpu.sem_alloc : memref<!tpu.dma_semaphore, #tpu.memory_space<semaphore_mem>>
      %dma_start3A_167 = arith.constant 0 : i32
      %dma_start3A_168 = tpu.memref_slice %arg5[%add3A_4, %dma_start3A_167] : memref<16384x272xf32, #tpu.memory_space<hbm>> -> memref<128x272xf32, #tpu.memory_space<hbm>>
      %dma_start3A_169 = arith.constant 0 : i32
      %dma_start3A_170 = tpu.memref_slice %arg5[%add3A_4, %dma_start3A_169] : memref<16384x272xf32, #tpu.memory_space<hbm>> -> memref<128x272xf32, #tpu.memory_space<hbm>>
      tpu.enqueue_dma source(%arg9 : memref<128x272xf32, #tpu.memory_space<vmem>>) target(%dma_start3A_170 : memref<128x272xf32, #tpu.memory_space<hbm>>) target_semaphore(%run_scoped3A : memref<!tpu.dma_semaphore, #tpu.memory_space<semaphore_mem>>)
      %dma_wait3A_171 = arith.constant 0 : i32
      %dma_wait3A_172 = tpu.memref_slice %arg5[%add3A_4, %dma_wait3A_171] : memref<16384x272xf32, #tpu.memory_space<hbm>> -> memref<128x272xf32, #tpu.memory_space<hbm>>
      %dma_wait3A_173 = arith.constant 0 : i32
      %dma_wait3A_174 = tpu.memref_slice %arg5[%add3A_4, %dma_wait3A_173] : memref<16384x272xf32, #tpu.memory_space<hbm>> -> memref<128x272xf32, #tpu.memory_space<hbm>>
      tpu.wait_dma2 semaphore(%run_scoped3A : memref<!tpu.dma_semaphore, #tpu.memory_space<semaphore_mem>>) src(%arg9 : memref<128x272xf32, #tpu.memory_space<vmem>>) dst(%dma_wait3A_174 : memref<128x272xf32, #tpu.memory_space<hbm>>)
      tpu.yield
    }) : () -> ()
    "tpu.region"() ({
      %run_scoped3A = tpu.sem_alloc : memref<!tpu.dma_semaphore, #tpu.memory_space<semaphore_mem>>
      %dma_start3A_167 = arith.constant 0 : i32
      %dma_start3A_168 = tpu.memref_slice %arg6[%add3A_4, %dma_start3A_167] : memref<16384x16xi32, #tpu.memory_space<hbm>> -> memref<128x16xi32, #tpu.memory_space<hbm>>
      %dma_start3A_169 = arith.constant 0 : i32
      %dma_start3A_170 = tpu.memref_slice %arg6[%add3A_4, %dma_start3A_169] : memref<16384x16xi32, #tpu.memory_space<hbm>> -> memref<128x16xi32, #tpu.memory_space<hbm>>
      tpu.enqueue_dma source(%arg10 : memref<128x16xi32, #tpu.memory_space<vmem>>) target(%dma_start3A_170 : memref<128x16xi32, #tpu.memory_space<hbm>>) target_semaphore(%run_scoped3A : memref<!tpu.dma_semaphore, #tpu.memory_space<semaphore_mem>>)
      %dma_wait3A_171 = arith.constant 0 : i32
      %dma_wait3A_172 = tpu.memref_slice %arg6[%add3A_4, %dma_wait3A_171] : memref<16384x16xi32, #tpu.memory_space<hbm>> -> memref<128x16xi32, #tpu.memory_space<hbm>>
      %dma_wait3A_173 = arith.constant 0 : i32
      %dma_wait3A_174 = tpu.memref_slice %arg6[%add3A_4, %dma_wait3A_173] : memref<16384x16xi32, #tpu.memory_space<hbm>> -> memref<128x16xi32, #tpu.memory_space<hbm>>
      tpu.wait_dma2 semaphore(%run_scoped3A : memref<!tpu.dma_semaphore, #tpu.memory_space<semaphore_mem>>) src(%arg10 : memref<128x16xi32, #tpu.memory_space<vmem>>) dst(%dma_wait3A_174 : memref<128x16xi32, #tpu.memory_space<hbm>>)
      tpu.yield
    }) : () -> ()
    %add3A_33 = arith.constant 0 : i32
    %add3A_34 = arith.addi %add3A_33, %add3A : i32
    "tpu.region"() ({
      %run_scoped3A = tpu.sem_alloc : memref<!tpu.dma_semaphore, #tpu.memory_space<semaphore_mem>>
      %dma_start3A_167 = arith.constant 0 : i32
      %dma_start3A_168 = tpu.memref_slice %arg7[%add3A_34, %dma_start3A_167] : memref<128x16xf32, #tpu.memory_space<hbm>> -> memref<1x16xf32, #tpu.memory_space<hbm>>
      %dma_start3A_169 = tpu.memref_squeeze %dma_start3A_168 : memref<1x16xf32, #tpu.memory_space<hbm>> -> memref<16xf32, #tpu.memory_space<hbm>>
      %dma_start3A_170 = arith.constant 0 : i32
      %dma_start3A_171 = tpu.memref_slice %arg7[%add3A_34, %dma_start3A_170] : memref<128x16xf32, #tpu.memory_space<hbm>> -> memref<1x16xf32, #tpu.memory_space<hbm>>
      %dma_start3A_172 = tpu.memref_squeeze %dma_start3A_171 : memref<1x16xf32, #tpu.memory_space<hbm>> -> memref<16xf32, #tpu.memory_space<hbm>>
      tpu.enqueue_dma source(%arg11 : memref<16xf32, #tpu.memory_space<vmem>>) target(%dma_start3A_172 : memref<16xf32, #tpu.memory_space<hbm>>) target_semaphore(%run_scoped3A : memref<!tpu.dma_semaphore, #tpu.memory_space<semaphore_mem>>)
      %dma_wait3A_173 = arith.constant 0 : i32
      %dma_wait3A_174 = tpu.memref_slice %arg7[%add3A_34, %dma_wait3A_173] : memref<128x16xf32, #tpu.memory_space<hbm>> -> memref<1x16xf32, #tpu.memory_space<hbm>>
      %dma_wait3A_175 = tpu.memref_squeeze %dma_wait3A_174 : memref<1x16xf32, #tpu.memory_space<hbm>> -> memref<16xf32, #tpu.memory_space<hbm>>
      %dma_wait3A_176 = arith.constant 0 : i32
      %dma_wait3A_177 = tpu.memref_slice %arg7[%add3A_34, %dma_wait3A_176] : memref<128x16xf32, #tpu.memory_space<hbm>> -> memref<1x16xf32, #tpu.memory_space<hbm>>
      %dma_wait3A_178 = tpu.memref_squeeze %dma_wait3A_177 : memref<1x16xf32, #tpu.memory_space<hbm>> -> memref<16xf32, #tpu.memory_space<hbm>>
      tpu.wait_dma2 semaphore(%run_scoped3A : memref<!tpu.dma_semaphore, #tpu.memory_space<semaphore_mem>>) src(%arg11 : memref<16xf32, #tpu.memory_space<vmem>>) dst(%dma_wait3A_178 : memref<16xf32, #tpu.memory_space<hbm>>)
      tpu.yield
    }) : () -> ()
    %mul3A_35 = arith.constant 128 : i32
    %mul3A_36 = arith.muli %add3A, %mul3A_35 : i32
    %add3A_37 = arith.constant 4096 : i32
    %add3A_38 = arith.addi %add3A_37, %mul3A_36 : i32
    "tpu.region"() ({
      %run_scoped3A = tpu.sem_alloc : memref<!tpu.dma_semaphore, #tpu.memory_space<semaphore_mem>>
      %dma_start3A_167 = tpu.memref_slice %arg4[%add3A_38] : memref<16384xi32, #tpu.memory_space<hbm>> -> memref<128xi32, #tpu.memory_space<hbm>>
      %dma_start3A_168 = tpu.memref_slice %arg4[%add3A_38] : memref<16384xi32, #tpu.memory_space<hbm>> -> memref<128xi32, #tpu.memory_space<hbm>>
      tpu.enqueue_dma source(%dma_start3A_168 : memref<128xi32, #tpu.memory_space<hbm>>) target(%arg8 : memref<128xi32, #tpu.memory_space<vmem>>) target_semaphore(%run_scoped3A : memref<!tpu.dma_semaphore, #tpu.memory_space<semaphore_mem>>)
      %dma_wait3A_169 = tpu.memref_slice %arg4[%add3A_38] : memref<16384xi32, #tpu.memory_space<hbm>> -> memref<128xi32, #tpu.memory_space<hbm>>
      %dma_wait3A_170 = tpu.memref_slice %arg4[%add3A_38] : memref<16384xi32, #tpu.memory_space<hbm>> -> memref<128xi32, #tpu.memory_space<hbm>>
      tpu.wait_dma2 semaphore(%run_scoped3A : memref<!tpu.dma_semaphore, #tpu.memory_space<semaphore_mem>>) src(%dma_wait3A_170 : memref<128xi32, #tpu.memory_space<hbm>>) dst(%arg8 : memref<128xi32, #tpu.memory_space<vmem>>)
      tpu.yield
    }) : () -> ()
    %dma_start3A_39 = arith.constant 0 : i32
    %dma_start3A_40 = arith.constant 0 : i32
    %dma_start3A_41 = tpu.memref_slice %arg2[%dma_start3A_39, %dma_start3A_40] : memref<160000x272xf32, #tpu.memory_space<hbm>> -> memref<160000x272xf32, #tpu.memory_space<hbm>>
    tpu.enqueue_indirect_dma source(%dma_start3A_41 : memref<160000x272xf32, #tpu.memory_space<hbm>>) target(%arg9 : memref<128x272xf32, #tpu.memory_space<vmem>>) offsets(%arg8 : memref<128xi32, #tpu.memory_space<vmem>>) semaphore(%arg12 : memref<!tpu.dma_semaphore, #tpu.memory_space<semaphore_mem>>)
    %dma_start3A_42 = arith.constant 0 : i32
    %dma_start3A_43 = arith.constant 0 : i32
    %dma_start3A_44 = tpu.memref_slice %arg3[%dma_start3A_42, %dma_start3A_43] : memref<160000x16xi32, #tpu.memory_space<hbm>> -> memref<160000x16xi32, #tpu.memory_space<hbm>>
    tpu.enqueue_indirect_dma source(%dma_start3A_44 : memref<160000x16xi32, #tpu.memory_space<hbm>>) target(%arg10 : memref<128x16xi32, #tpu.memory_space<vmem>>) offsets(%arg8 : memref<128xi32, #tpu.memory_space<vmem>>) semaphore(%arg13 : memref<!tpu.dma_semaphore, #tpu.memory_space<semaphore_mem>>)
    %dma_wait3A_45 = arith.constant 0 : i32
    %dma_wait3A_46 = arith.constant 0 : i32
    %dma_wait3A_47 = tpu.memref_slice %arg3[%dma_wait3A_45, %dma_wait3A_46] : memref<160000x16xi32, #tpu.memory_space<hbm>> -> memref<160000x16xi32, #tpu.memory_space<hbm>>
    tpu.wait_indirect_dma semaphore(%arg13 : memref<!tpu.dma_semaphore, #tpu.memory_space<semaphore_mem>>) src(%dma_wait3A_47 : memref<160000x16xi32, #tpu.memory_space<hbm>>) dst(%arg10 : memref<128x16xi32, #tpu.memory_space<vmem>>)
    %mul3A_48 = arith.constant 128 : i32
    %mul3A_49 = arith.muli %add3A, %mul3A_48 : i32
    %sub3A_50 = arith.constant 4000 : i32
    %sub3A_51 = arith.subi %sub3A_50, %mul3A_49 : i32
    %jit3A_52 = arith.constant 0 : i32
    %jit3A_53 = arith.constant 128 : i32
    %max3A_54 = arith.maxsi %jit3A_52, %sub3A_51 : i32
    %min3A_55 = arith.minsi %jit3A_53, %max3A_54 : i32
    %broadcast_in_dim3A_56 = arith.constant 0 : i32
    %broadcast_in_dim3A_57 = vector.broadcast %broadcast_in_dim3A_56 : i32 to vector<16xi32>
    %while3A_58 = arith.constant 0 : i32
    %while3A_59 = arith.subi %min3A_55, %while3A_58 : i32
    %while3A_60 = arith.addi %while3A_58, %while3A_59 : i32
    %while3A_61 = arith.constant 1 : i32
    %while3A_62 = arith.divsi %while3A_59, %while3A_61 : i32
    %while3A_63 = arith.muli %while3A_62, %while3A_61 : i32
    %while3A_64 = arith.addi %while3A_58, %while3A_63 : i32
    %while3A_65 = arith.constant 1 : i32
    %while3A_66 = scf.for %while3A_167 = %while3A_58 to %while3A_64 step %while3A_65 iter_args(%while3A_168 = %broadcast_in_dim3A_57) -> (vector<16xi32>)  : i32 {
      %get3A = arith.index_cast %while3A_167 : i32 to index
      %get3A_169 = arith.constant 0 : index
      %get3A_170 = tpu.vector_load %arg10[%get3A, %get3A_169] {strides = array<i32>} : memref<128x16xi32, #tpu.memory_space<vmem>>, vector<1x16xi32>,
      %get3A_171 = vector.shape_cast %get3A_170 : vector<1x16xi32> to vector<16xi32>
      %sub3A_172 = arith.constant 16 : i32
      %sub3A_173 = vector.broadcast %sub3A_172 : i32 to vector<16xi32>
      %sub3A_174 = arith.subi %sub3A_173, %get3A_171 : vector<16xi32>
      %min3A_175 = arith.constant 1 : i32
      %min3A_176 = vector.broadcast %min3A_175 : i32 to vector<16xi32>
      %min3A_177 = arith.minsi %sub3A_174, %min3A_176 : vector<16xi32>
      %add3A_178 = arith.addi %while3A_168, %min3A_177 : vector<16xi32>
      scf.yield %add3A_178 : vector<16xi32>
    }
    %while3A_67 = arith.constant 1 : i32
    %while3A_68 = scf.for %while3A_167 = %while3A_64 to %while3A_60 step %while3A_67 iter_args(%while3A_168 = %while3A_66) -> (vector<16xi32>)  : i32 {
      %get3A = arith.index_cast %while3A_167 : i32 to index
      %get3A_169 = arith.constant 0 : index
      %get3A_170 = tpu.vector_load %arg10[%get3A, %get3A_169] {strides = array<i32>} : memref<128x16xi32, #tpu.memory_space<vmem>>, vector<1x16xi32>,
      %get3A_171 = vector.shape_cast %get3A_170 : vector<1x16xi32> to vector<16xi32>
      %sub3A_172 = arith.constant 16 : i32
      %sub3A_173 = vector.broadcast %sub3A_172 : i32 to vector<16xi32>
      %sub3A_174 = arith.subi %sub3A_173, %get3A_171 : vector<16xi32>
      %min3A_175 = arith.constant 1 : i32
      %min3A_176 = vector.broadcast %min3A_175 : i32 to vector<16xi32>
      %min3A_177 = arith.minsi %sub3A_174, %min3A_176 : vector<16xi32>
      %add3A_178 = arith.addi %while3A_168, %min3A_177 : vector<16xi32>
      scf.yield %add3A_178 : vector<16xi32>
    }
    %convert_element_type3A_69 = arith.sitofp %while3A_68 : vector<16xi32> to vector<16xf32>
    %swap3A_70 = arith.constant 0 : index
    %swap3A_71 = tpu.vector_load %arg11[%swap3A_70] {strides = array<i32>} : memref<16xf32, #tpu.memory_space<vmem>>, vector<16xf32>,
    %swap3A_72 = vector.shape_cast %swap3A_71 : vector<16xf32> to vector<16xf32>
    %swap3A_73 = vector.shape_cast %convert_element_type3A_69 : vector<16xf32> to vector<16xf32>
    tpu.vector_store %arg11[%swap3A_70], %swap3A_73 {strides = array<i32>} : memref<16xf32, #tpu.memory_space<vmem>>, vector<16xf32>,
    %dma_wait3A_74 = arith.constant 0 : i32
    %dma_wait3A_75 = arith.constant 0 : i32
    %dma_wait3A_76 = tpu.memref_slice %arg2[%dma_wait3A_74, %dma_wait3A_75] : memref<160000x272xf32, #tpu.memory_space<hbm>> -> memref<160000x272xf32, #tpu.memory_space<hbm>>
    tpu.wait_indirect_dma semaphore(%arg12 : memref<!tpu.dma_semaphore, #tpu.memory_space<semaphore_mem>>) src(%dma_wait3A_76 : memref<160000x272xf32, #tpu.memory_space<hbm>>) dst(%arg9 : memref<128x272xf32, #tpu.memory_space<vmem>>)
    "tpu.region"() ({
      %run_scoped3A = tpu.sem_alloc : memref<!tpu.dma_semaphore, #tpu.memory_space<semaphore_mem>>
      %dma_start3A_167 = arith.constant 0 : i32
      %dma_start3A_168 = tpu.memref_slice %arg5[%add3A_38, %dma_start3A_167] : memref<16384x272xf32, #tpu.memory_space<hbm>> -> memref<128x272xf32, #tpu.memory_space<hbm>>
      %dma_start3A_169 = arith.constant 0 : i32
      %dma_start3A_170 = tpu.memref_slice %arg5[%add3A_38, %dma_start3A_169] : memref<16384x272xf32, #tpu.memory_space<hbm>> -> memref<128x272xf32, #tpu.memory_space<hbm>>
      tpu.enqueue_dma source(%arg9 : memref<128x272xf32, #tpu.memory_space<vmem>>) target(%dma_start3A_170 : memref<128x272xf32, #tpu.memory_space<hbm>>) target_semaphore(%run_scoped3A : memref<!tpu.dma_semaphore, #tpu.memory_space<semaphore_mem>>)
      %dma_wait3A_171 = arith.constant 0 : i32
      %dma_wait3A_172 = tpu.memref_slice %arg5[%add3A_38, %dma_wait3A_171] : memref<16384x272xf32, #tpu.memory_space<hbm>> -> memref<128x272xf32, #tpu.memory_space<hbm>>
      %dma_wait3A_173 = arith.constant 0 : i32
      %dma_wait3A_174 = tpu.memref_slice %arg5[%add3A_38, %dma_wait3A_173] : memref<16384x272xf32, #tpu.memory_space<hbm>> -> memref<128x272xf32, #tpu.memory_space<hbm>>
      tpu.wait_dma2 semaphore(%run_scoped3A : memref<!tpu.dma_semaphore, #tpu.memory_space<semaphore_mem>>) src(%arg9 : memref<128x272xf32, #tpu.memory_space<vmem>>) dst(%dma_wait3A_174 : memref<128x272xf32, #tpu.memory_space<hbm>>)
      tpu.yield
    }) : () -> ()
    "tpu.region"() ({
      %run_scoped3A = tpu.sem_alloc : memref<!tpu.dma_semaphore, #tpu.memory_space<semaphore_mem>>
      %dma_start3A_167 = arith.constant 0 : i32
      %dma_start3A_168 = tpu.memref_slice %arg6[%add3A_38, %dma_start3A_167] : memref<16384x16xi32, #tpu.memory_space<hbm>> -> memref<128x16xi32, #tpu.memory_space<hbm>>
      %dma_start3A_169 = arith.constant 0 : i32
      %dma_start3A_170 = tpu.memref_slice %arg6[%add3A_38, %dma_start3A_169] : memref<16384x16xi32, #tpu.memory_space<hbm>> -> memref<128x16xi32, #tpu.memory_space<hbm>>
      tpu.enqueue_dma source(%arg10 : memref<128x16xi32, #tpu.memory_space<vmem>>) target(%dma_start3A_170 : memref<128x16xi32, #tpu.memory_space<hbm>>) target_semaphore(%run_scoped3A : memref<!tpu.dma_semaphore, #tpu.memory_space<semaphore_mem>>)
      %dma_wait3A_171 = arith.constant 0 : i32
      %dma_wait3A_172 = tpu.memref_slice %arg6[%add3A_38, %dma_wait3A_171] : memref<16384x16xi32, #tpu.memory_space<hbm>> -> memref<128x16xi32, #tpu.memory_space<hbm>>
      %dma_wait3A_173 = arith.constant 0 : i32
      %dma_wait3A_174 = tpu.memref_slice %arg6[%add3A_38, %dma_wait3A_173] : memref<16384x16xi32, #tpu.memory_space<hbm>> -> memref<128x16xi32, #tpu.memory_space<hbm>>
      tpu.wait_dma2 semaphore(%run_scoped3A : memref<!tpu.dma_semaphore, #tpu.memory_space<semaphore_mem>>) src(%arg10 : memref<128x16xi32, #tpu.memory_space<vmem>>) dst(%dma_wait3A_174 : memref<128x16xi32, #tpu.memory_space<hbm>>)
      tpu.yield
    }) : () -> ()
    %add3A_77 = arith.constant 32 : i32
    %add3A_78 = arith.addi %add3A_77, %add3A : i32
    "tpu.region"() ({
      %run_scoped3A = tpu.sem_alloc : memref<!tpu.dma_semaphore, #tpu.memory_space<semaphore_mem>>
      %dma_start3A_167 = arith.constant 0 : i32
      %dma_start3A_168 = tpu.memref_slice %arg7[%add3A_78, %dma_start3A_167] : memref<128x16xf32, #tpu.memory_space<hbm>> -> memref<1x16xf32, #tpu.memory_space<hbm>>
      %dma_start3A_169 = tpu.memref_squeeze %dma_start3A_168 : memref<1x16xf32, #tpu.memory_space<hbm>> -> memref<16xf32, #tpu.memory_space<hbm>>
      %dma_start3A_170 = arith.constant 0 : i32
      %dma_start3A_171 = tpu.memref_slice %arg7[%add3A_78, %dma_start3A_170] : memref<128x16xf32, #tpu.memory_space<hbm>> -> memref<1x16xf32, #tpu.memory_space<hbm>>
      %dma_start3A_172 = tpu.memref_squeeze %dma_start3A_171 : memref<1x16xf32, #tpu.memory_space<hbm>> -> memref<16xf32, #tpu.memory_space<hbm>>
      tpu.enqueue_dma source(%arg11 : memref<16xf32, #tpu.memory_space<vmem>>) target(%dma_start3A_172 : memref<16xf32, #tpu.memory_space<hbm>>) target_semaphore(%run_scoped3A : memref<!tpu.dma_semaphore, #tpu.memory_space<semaphore_mem>>)
      %dma_wait3A_173 = arith.constant 0 : i32
      %dma_wait3A_174 = tpu.memref_slice %arg7[%add3A_78, %dma_wait3A_173] : memref<128x16xf32, #tpu.memory_space<hbm>> -> memref<1x16xf32, #tpu.memory_space<hbm>>
      %dma_wait3A_175 = tpu.memref_squeeze %dma_wait3A_174 : memref<1x16xf32, #tpu.memory_space<hbm>> -> memref<16xf32, #tpu.memory_space<hbm>>
      %dma_wait3A_176 = arith.constant 0 : i32
      %dma_wait3A_177 = tpu.memref_slice %arg7[%add3A_78, %dma_wait3A_176] : memref<128x16xf32, #tpu.memory_space<hbm>> -> memref<1x16xf32, #tpu.memory_space<hbm>>
      %dma_wait3A_178 = tpu.memref_squeeze %dma_wait3A_177 : memref<1x16xf32, #tpu.memory_space<hbm>> -> memref<16xf32, #tpu.memory_space<hbm>>
      tpu.wait_dma2 semaphore(%run_scoped3A : memref<!tpu.dma_semaphore, #tpu.memory_space<semaphore_mem>>) src(%arg11 : memref<16xf32, #tpu.memory_space<vmem>>) dst(%dma_wait3A_178 : memref<16xf32, #tpu.memory_space<hbm>>)
      tpu.yield
    }) : () -> ()
    %mul3A_79 = arith.constant 128 : i32
    %mul3A_80 = arith.muli %add3A, %mul3A_79 : i32
    %add3A_81 = arith.constant 8192 : i32
    %add3A_82 = arith.addi %add3A_81, %mul3A_80 : i32
    "tpu.region"() ({
      %run_scoped3A = tpu.sem_alloc : memref<!tpu.dma_semaphore, #tpu.memory_space<semaphore_mem>>
      %dma_start3A_167 = tpu.memref_slice %arg4[%add3A_82] : memref<16384xi32, #tpu.memory_space<hbm>> -> memref<128xi32, #tpu.memory_space<hbm>>
      %dma_start3A_168 = tpu.memref_slice %arg4[%add3A_82] : memref<16384xi32, #tpu.memory_space<hbm>> -> memref<128xi32, #tpu.memory_space<hbm>>
      tpu.enqueue_dma source(%dma_start3A_168 : memref<128xi32, #tpu.memory_space<hbm>>) target(%arg8 : memref<128xi32, #tpu.memory_space<vmem>>) target_semaphore(%run_scoped3A : memref<!tpu.dma_semaphore, #tpu.memory_space<semaphore_mem>>)
      %dma_wait3A_169 = tpu.memref_slice %arg4[%add3A_82] : memref<16384xi32, #tpu.memory_space<hbm>> -> memref<128xi32, #tpu.memory_space<hbm>>
      %dma_wait3A_170 = tpu.memref_slice %arg4[%add3A_82] : memref<16384xi32, #tpu.memory_space<hbm>> -> memref<128xi32, #tpu.memory_space<hbm>>
      tpu.wait_dma2 semaphore(%run_scoped3A : memref<!tpu.dma_semaphore, #tpu.memory_space<semaphore_mem>>) src(%dma_wait3A_170 : memref<128xi32, #tpu.memory_space<hbm>>) dst(%arg8 : memref<128xi32, #tpu.memory_space<vmem>>)
      tpu.yield
    }) : () -> ()
    %dma_start3A_83 = arith.constant 0 : i32
    %dma_start3A_84 = arith.constant 0 : i32
    %dma_start3A_85 = tpu.memref_slice %arg2[%dma_start3A_83, %dma_start3A_84] : memref<160000x272xf32, #tpu.memory_space<hbm>> -> memref<160000x272xf32, #tpu.memory_space<hbm>>
    tpu.enqueue_indirect_dma source(%dma_start3A_85 : memref<160000x272xf32, #tpu.memory_space<hbm>>) target(%arg9 : memref<128x272xf32, #tpu.memory_space<vmem>>) offsets(%arg8 : memref<128xi32, #tpu.memory_space<vmem>>) semaphore(%arg12 : memref<!tpu.dma_semaphore, #tpu.memory_space<semaphore_mem>>)
    %dma_start3A_86 = arith.constant 0 : i32
    %dma_start3A_87 = arith.constant 0 : i32
    %dma_start3A_88 = tpu.memref_slice %arg3[%dma_start3A_86, %dma_start3A_87] : memref<160000x16xi32, #tpu.memory_space<hbm>> -> memref<160000x16xi32, #tpu.memory_space<hbm>>
    tpu.enqueue_indirect_dma source(%dma_start3A_88 : memref<160000x16xi32, #tpu.memory_space<hbm>>) target(%arg10 : memref<128x16xi32, #tpu.memory_space<vmem>>) offsets(%arg8 : memref<128xi32, #tpu.memory_space<vmem>>) semaphore(%arg13 : memref<!tpu.dma_semaphore, #tpu.memory_space<semaphore_mem>>)
    %dma_wait3A_89 = arith.constant 0 : i32
    %dma_wait3A_90 = arith.constant 0 : i32
    %dma_wait3A_91 = tpu.memref_slice %arg3[%dma_wait3A_89, %dma_wait3A_90] : memref<160000x16xi32, #tpu.memory_space<hbm>> -> memref<160000x16xi32, #tpu.memory_space<hbm>>
    tpu.wait_indirect_dma semaphore(%arg13 : memref<!tpu.dma_semaphore, #tpu.memory_space<semaphore_mem>>) src(%dma_wait3A_91 : memref<160000x16xi32, #tpu.memory_space<hbm>>) dst(%arg10 : memref<128x16xi32, #tpu.memory_space<vmem>>)
    %mul3A_92 = arith.constant 128 : i32
    %mul3A_93 = arith.muli %add3A, %mul3A_92 : i32
    %sub3A_94 = arith.constant 4000 : i32
    %sub3A_95 = arith.subi %sub3A_94, %mul3A_93 : i32
    %jit3A_96 = arith.constant 0 : i32
    %jit3A_97 = arith.constant 128 : i32
    %max3A_98 = arith.maxsi %jit3A_96, %sub3A_95 : i32
    %min3A_99 = arith.minsi %jit3A_97, %max3A_98 : i32
    %broadcast_in_dim3A_100 = arith.constant 0 : i32
    %broadcast_in_dim3A_101 = vector.broadcast %broadcast_in_dim3A_100 : i32 to vector<16xi32>
    %while3A_102 = arith.constant 0 : i32
    %while3A_103 = arith.subi %min3A_99, %while3A_102 : i32
    %while3A_104 = arith.addi %while3A_102, %while3A_103 : i32
    %while3A_105 = arith.constant 1 : i32
    %while3A_106 = arith.divsi %while3A_103, %while3A_105 : i32
    %while3A_107 = arith.muli %while3A_106, %while3A_105 : i32
    %while3A_108 = arith.addi %while3A_102, %while3A_107 : i32
    %while3A_109 = arith.constant 1 : i32
    %while3A_110 = scf.for %while3A_167 = %while3A_102 to %while3A_108 step %while3A_109 iter_args(%while3A_168 = %broadcast_in_dim3A_101) -> (vector<16xi32>)  : i32 {
      %get3A = arith.index_cast %while3A_167 : i32 to index
      %get3A_169 = arith.constant 0 : index
      %get3A_170 = tpu.vector_load %arg10[%get3A, %get3A_169] {strides = array<i32>} : memref<128x16xi32, #tpu.memory_space<vmem>>, vector<1x16xi32>,
      %get3A_171 = vector.shape_cast %get3A_170 : vector<1x16xi32> to vector<16xi32>
      %sub3A_172 = arith.constant 16 : i32
      %sub3A_173 = vector.broadcast %sub3A_172 : i32 to vector<16xi32>
      %sub3A_174 = arith.subi %sub3A_173, %get3A_171 : vector<16xi32>
      %min3A_175 = arith.constant 1 : i32
      %min3A_176 = vector.broadcast %min3A_175 : i32 to vector<16xi32>
      %min3A_177 = arith.minsi %sub3A_174, %min3A_176 : vector<16xi32>
      %add3A_178 = arith.addi %while3A_168, %min3A_177 : vector<16xi32>
      scf.yield %add3A_178 : vector<16xi32>
    }
    %while3A_111 = arith.constant 1 : i32
    %while3A_112 = scf.for %while3A_167 = %while3A_108 to %while3A_104 step %while3A_111 iter_args(%while3A_168 = %while3A_110) -> (vector<16xi32>)  : i32 {
      %get3A = arith.index_cast %while3A_167 : i32 to index
      %get3A_169 = arith.constant 0 : index
      %get3A_170 = tpu.vector_load %arg10[%get3A, %get3A_169] {strides = array<i32>} : memref<128x16xi32, #tpu.memory_space<vmem>>, vector<1x16xi32>,
      %get3A_171 = vector.shape_cast %get3A_170 : vector<1x16xi32> to vector<16xi32>
      %sub3A_172 = arith.constant 16 : i32
      %sub3A_173 = vector.broadcast %sub3A_172 : i32 to vector<16xi32>
      %sub3A_174 = arith.subi %sub3A_173, %get3A_171 : vector<16xi32>
      %min3A_175 = arith.constant 1 : i32
      %min3A_176 = vector.broadcast %min3A_175 : i32 to vector<16xi32>
      %min3A_177 = arith.minsi %sub3A_174, %min3A_176 : vector<16xi32>
      %add3A_178 = arith.addi %while3A_168, %min3A_177 : vector<16xi32>
      scf.yield %add3A_178 : vector<16xi32>
    }
    %convert_element_type3A_113 = arith.sitofp %while3A_112 : vector<16xi32> to vector<16xf32>
    %swap3A_114 = arith.constant 0 : index
    %swap3A_115 = tpu.vector_load %arg11[%swap3A_114] {strides = array<i32>} : memref<16xf32, #tpu.memory_space<vmem>>, vector<16xf32>,
    %swap3A_116 = vector.shape_cast %swap3A_115 : vector<16xf32> to vector<16xf32>
    %swap3A_117 = vector.shape_cast %convert_element_type3A_113 : vector<16xf32> to vector<16xf32>
    tpu.vector_store %arg11[%swap3A_114], %swap3A_117 {strides = array<i32>} : memref<16xf32, #tpu.memory_space<vmem>>, vector<16xf32>,
    %dma_wait3A_118 = arith.constant 0 : i32
    %dma_wait3A_119 = arith.constant 0 : i32
    %dma_wait3A_120 = tpu.memref_slice %arg2[%dma_wait3A_118, %dma_wait3A_119] : memref<160000x272xf32, #tpu.memory_space<hbm>> -> memref<160000x272xf32, #tpu.memory_space<hbm>>
    tpu.wait_indirect_dma semaphore(%arg12 : memref<!tpu.dma_semaphore, #tpu.memory_space<semaphore_mem>>) src(%dma_wait3A_120 : memref<160000x272xf32, #tpu.memory_space<hbm>>) dst(%arg9 : memref<128x272xf32, #tpu.memory_space<vmem>>)
    "tpu.region"() ({
      %run_scoped3A = tpu.sem_alloc : memref<!tpu.dma_semaphore, #tpu.memory_space<semaphore_mem>>
      %dma_start3A_167 = arith.constant 0 : i32
      %dma_start3A_168 = tpu.memref_slice %arg5[%add3A_82, %dma_start3A_167] : memref<16384x272xf32, #tpu.memory_space<hbm>> -> memref<128x272xf32, #tpu.memory_space<hbm>>
      %dma_start3A_169 = arith.constant 0 : i32
      %dma_start3A_170 = tpu.memref_slice %arg5[%add3A_82, %dma_start3A_169] : memref<16384x272xf32, #tpu.memory_space<hbm>> -> memref<128x272xf32, #tpu.memory_space<hbm>>
      tpu.enqueue_dma source(%arg9 : memref<128x272xf32, #tpu.memory_space<vmem>>) target(%dma_start3A_170 : memref<128x272xf32, #tpu.memory_space<hbm>>) target_semaphore(%run_scoped3A : memref<!tpu.dma_semaphore, #tpu.memory_space<semaphore_mem>>)
      %dma_wait3A_171 = arith.constant 0 : i32
      %dma_wait3A_172 = tpu.memref_slice %arg5[%add3A_82, %dma_wait3A_171] : memref<16384x272xf32, #tpu.memory_space<hbm>> -> memref<128x272xf32, #tpu.memory_space<hbm>>
      %dma_wait3A_173 = arith.constant 0 : i32
      %dma_wait3A_174 = tpu.memref_slice %arg5[%add3A_82, %dma_wait3A_173] : memref<16384x272xf32, #tpu.memory_space<hbm>> -> memref<128x272xf32, #tpu.memory_space<hbm>>
      tpu.wait_dma2 semaphore(%run_scoped3A : memref<!tpu.dma_semaphore, #tpu.memory_space<semaphore_mem>>) src(%arg9 : memref<128x272xf32, #tpu.memory_space<vmem>>) dst(%dma_wait3A_174 : memref<128x272xf32, #tpu.memory_space<hbm>>)
      tpu.yield
    }) : () -> ()
    "tpu.region"() ({
      %run_scoped3A = tpu.sem_alloc : memref<!tpu.dma_semaphore, #tpu.memory_space<semaphore_mem>>
      %dma_start3A_167 = arith.constant 0 : i32
      %dma_start3A_168 = tpu.memref_slice %arg6[%add3A_82, %dma_start3A_167] : memref<16384x16xi32, #tpu.memory_space<hbm>> -> memref<128x16xi32, #tpu.memory_space<hbm>>
      %dma_start3A_169 = arith.constant 0 : i32
      %dma_start3A_170 = tpu.memref_slice %arg6[%add3A_82, %dma_start3A_169] : memref<16384x16xi32, #tpu.memory_space<hbm>> -> memref<128x16xi32, #tpu.memory_space<hbm>>
      tpu.enqueue_dma source(%arg10 : memref<128x16xi32, #tpu.memory_space<vmem>>) target(%dma_start3A_170 : memref<128x16xi32, #tpu.memory_space<hbm>>) target_semaphore(%run_scoped3A : memref<!tpu.dma_semaphore, #tpu.memory_space<semaphore_mem>>)
      %dma_wait3A_171 = arith.constant 0 : i32
      %dma_wait3A_172 = tpu.memref_slice %arg6[%add3A_82, %dma_wait3A_171] : memref<16384x16xi32, #tpu.memory_space<hbm>> -> memref<128x16xi32, #tpu.memory_space<hbm>>
      %dma_wait3A_173 = arith.constant 0 : i32
      %dma_wait3A_174 = tpu.memref_slice %arg6[%add3A_82, %dma_wait3A_173] : memref<16384x16xi32, #tpu.memory_space<hbm>> -> memref<128x16xi32, #tpu.memory_space<hbm>>
      tpu.wait_dma2 semaphore(%run_scoped3A : memref<!tpu.dma_semaphore, #tpu.memory_space<semaphore_mem>>) src(%arg10 : memref<128x16xi32, #tpu.memory_space<vmem>>) dst(%dma_wait3A_174 : memref<128x16xi32, #tpu.memory_space<hbm>>)
      tpu.yield
    }) : () -> ()
    %add3A_121 = arith.constant 64 : i32
    %add3A_122 = arith.addi %add3A_121, %add3A : i32
    "tpu.region"() ({
      %run_scoped3A = tpu.sem_alloc : memref<!tpu.dma_semaphore, #tpu.memory_space<semaphore_mem>>
      %dma_start3A_167 = arith.constant 0 : i32
      %dma_start3A_168 = tpu.memref_slice %arg7[%add3A_122, %dma_start3A_167] : memref<128x16xf32, #tpu.memory_space<hbm>> -> memref<1x16xf32, #tpu.memory_space<hbm>>
      %dma_start3A_169 = tpu.memref_squeeze %dma_start3A_168 : memref<1x16xf32, #tpu.memory_space<hbm>> -> memref<16xf32, #tpu.memory_space<hbm>>
      %dma_start3A_170 = arith.constant 0 : i32
      %dma_start3A_171 = tpu.memref_slice %arg7[%add3A_122, %dma_start3A_170] : memref<128x16xf32, #tpu.memory_space<hbm>> -> memref<1x16xf32, #tpu.memory_space<hbm>>
      %dma_start3A_172 = tpu.memref_squeeze %dma_start3A_171 : memref<1x16xf32, #tpu.memory_space<hbm>> -> memref<16xf32, #tpu.memory_space<hbm>>
      tpu.enqueue_dma source(%arg11 : memref<16xf32, #tpu.memory_space<vmem>>) target(%dma_start3A_172 : memref<16xf32, #tpu.memory_space<hbm>>) target_semaphore(%run_scoped3A : memref<!tpu.dma_semaphore, #tpu.memory_space<semaphore_mem>>)
      %dma_wait3A_173 = arith.constant 0 : i32
      %dma_wait3A_174 = tpu.memref_slice %arg7[%add3A_122, %dma_wait3A_173] : memref<128x16xf32, #tpu.memory_space<hbm>> -> memref<1x16xf32, #tpu.memory_space<hbm>>
      %dma_wait3A_175 = tpu.memref_squeeze %dma_wait3A_174 : memref<1x16xf32, #tpu.memory_space<hbm>> -> memref<16xf32, #tpu.memory_space<hbm>>
      %dma_wait3A_176 = arith.constant 0 : i32
      %dma_wait3A_177 = tpu.memref_slice %arg7[%add3A_122, %dma_wait3A_176] : memref<128x16xf32, #tpu.memory_space<hbm>> -> memref<1x16xf32, #tpu.memory_space<hbm>>
      %dma_wait3A_178 = tpu.memref_squeeze %dma_wait3A_177 : memref<1x16xf32, #tpu.memory_space<hbm>> -> memref<16xf32, #tpu.memory_space<hbm>>
      tpu.wait_dma2 semaphore(%run_scoped3A : memref<!tpu.dma_semaphore, #tpu.memory_space<semaphore_mem>>) src(%arg11 : memref<16xf32, #tpu.memory_space<vmem>>) dst(%dma_wait3A_178 : memref<16xf32, #tpu.memory_space<hbm>>)
      tpu.yield
    }) : () -> ()
    %mul3A_123 = arith.constant 128 : i32
    %mul3A_124 = arith.muli %add3A, %mul3A_123 : i32
    %add3A_125 = arith.constant 12288 : i32
    %add3A_126 = arith.addi %add3A_125, %mul3A_124 : i32
    "tpu.region"() ({
      %run_scoped3A = tpu.sem_alloc : memref<!tpu.dma_semaphore, #tpu.memory_space<semaphore_mem>>
      %dma_start3A_167 = tpu.memref_slice %arg4[%add3A_126] : memref<16384xi32, #tpu.memory_space<hbm>> -> memref<128xi32, #tpu.memory_space<hbm>>
      %dma_start3A_168 = tpu.memref_slice %arg4[%add3A_126] : memref<16384xi32, #tpu.memory_space<hbm>> -> memref<128xi32, #tpu.memory_space<hbm>>
      tpu.enqueue_dma source(%dma_start3A_168 : memref<128xi32, #tpu.memory_space<hbm>>) target(%arg8 : memref<128xi32, #tpu.memory_space<vmem>>) target_semaphore(%run_scoped3A : memref<!tpu.dma_semaphore, #tpu.memory_space<semaphore_mem>>)
      %dma_wait3A_169 = tpu.memref_slice %arg4[%add3A_126] : memref<16384xi32, #tpu.memory_space<hbm>> -> memref<128xi32, #tpu.memory_space<hbm>>
      %dma_wait3A_170 = tpu.memref_slice %arg4[%add3A_126] : memref<16384xi32, #tpu.memory_space<hbm>> -> memref<128xi32, #tpu.memory_space<hbm>>
      tpu.wait_dma2 semaphore(%run_scoped3A : memref<!tpu.dma_semaphore, #tpu.memory_space<semaphore_mem>>) src(%dma_wait3A_170 : memref<128xi32, #tpu.memory_space<hbm>>) dst(%arg8 : memref<128xi32, #tpu.memory_space<vmem>>)
      tpu.yield
    }) : () -> ()
    %dma_start3A_127 = arith.constant 0 : i32
    %dma_start3A_128 = arith.constant 0 : i32
    %dma_start3A_129 = tpu.memref_slice %arg2[%dma_start3A_127, %dma_start3A_128] : memref<160000x272xf32, #tpu.memory_space<hbm>> -> memref<160000x272xf32, #tpu.memory_space<hbm>>
    tpu.enqueue_indirect_dma source(%dma_start3A_129 : memref<160000x272xf32, #tpu.memory_space<hbm>>) target(%arg9 : memref<128x272xf32, #tpu.memory_space<vmem>>) offsets(%arg8 : memref<128xi32, #tpu.memory_space<vmem>>) semaphore(%arg12 : memref<!tpu.dma_semaphore, #tpu.memory_space<semaphore_mem>>)
    %dma_start3A_130 = arith.constant 0 : i32
    %dma_start3A_131 = arith.constant 0 : i32
    %dma_start3A_132 = tpu.memref_slice %arg3[%dma_start3A_130, %dma_start3A_131] : memref<160000x16xi32, #tpu.memory_space<hbm>> -> memref<160000x16xi32, #tpu.memory_space<hbm>>
    tpu.enqueue_indirect_dma source(%dma_start3A_132 : memref<160000x16xi32, #tpu.memory_space<hbm>>) target(%arg10 : memref<128x16xi32, #tpu.memory_space<vmem>>) offsets(%arg8 : memref<128xi32, #tpu.memory_space<vmem>>) semaphore(%arg13 : memref<!tpu.dma_semaphore, #tpu.memory_space<semaphore_mem>>)
    %dma_wait3A_133 = arith.constant 0 : i32
    %dma_wait3A_134 = arith.constant 0 : i32
    %dma_wait3A_135 = tpu.memref_slice %arg3[%dma_wait3A_133, %dma_wait3A_134] : memref<160000x16xi32, #tpu.memory_space<hbm>> -> memref<160000x16xi32, #tpu.memory_space<hbm>>
    tpu.wait_indirect_dma semaphore(%arg13 : memref<!tpu.dma_semaphore, #tpu.memory_space<semaphore_mem>>) src(%dma_wait3A_135 : memref<160000x16xi32, #tpu.memory_space<hbm>>) dst(%arg10 : memref<128x16xi32, #tpu.memory_space<vmem>>)
    %mul3A_136 = arith.constant 128 : i32
    %mul3A_137 = arith.muli %add3A, %mul3A_136 : i32
    %sub3A_138 = arith.constant 4000 : i32
    %sub3A_139 = arith.subi %sub3A_138, %mul3A_137 : i32
    %jit3A_140 = arith.constant 0 : i32
    %jit3A_141 = arith.constant 128 : i32
    %max3A_142 = arith.maxsi %jit3A_140, %sub3A_139 : i32
    %min3A_143 = arith.minsi %jit3A_141, %max3A_142 : i32
    %broadcast_in_dim3A_144 = arith.constant 0 : i32
    %broadcast_in_dim3A_145 = vector.broadcast %broadcast_in_dim3A_144 : i32 to vector<16xi32>
    %while3A_146 = arith.constant 0 : i32
    %while3A_147 = arith.subi %min3A_143, %while3A_146 : i32
    %while3A_148 = arith.addi %while3A_146, %while3A_147 : i32
    %while3A_149 = arith.constant 1 : i32
    %while3A_150 = arith.divsi %while3A_147, %while3A_149 : i32
    %while3A_151 = arith.muli %while3A_150, %while3A_149 : i32
    %while3A_152 = arith.addi %while3A_146, %while3A_151 : i32
    %while3A_153 = arith.constant 1 : i32
    %while3A_154 = scf.for %while3A_167 = %while3A_146 to %while3A_152 step %while3A_153 iter_args(%while3A_168 = %broadcast_in_dim3A_145) -> (vector<16xi32>)  : i32 {
      %get3A = arith.index_cast %while3A_167 : i32 to index
      %get3A_169 = arith.constant 0 : index
      %get3A_170 = tpu.vector_load %arg10[%get3A, %get3A_169] {strides = array<i32>} : memref<128x16xi32, #tpu.memory_space<vmem>>, vector<1x16xi32>,
      %get3A_171 = vector.shape_cast %get3A_170 : vector<1x16xi32> to vector<16xi32>
      %sub3A_172 = arith.constant 16 : i32
      %sub3A_173 = vector.broadcast %sub3A_172 : i32 to vector<16xi32>
      %sub3A_174 = arith.subi %sub3A_173, %get3A_171 : vector<16xi32>
      %min3A_175 = arith.constant 1 : i32
      %min3A_176 = vector.broadcast %min3A_175 : i32 to vector<16xi32>
      %min3A_177 = arith.minsi %sub3A_174, %min3A_176 : vector<16xi32>
      %add3A_178 = arith.addi %while3A_168, %min3A_177 : vector<16xi32>
      scf.yield %add3A_178 : vector<16xi32>
    }
    %while3A_155 = arith.constant 1 : i32
    %while3A_156 = scf.for %while3A_167 = %while3A_152 to %while3A_148 step %while3A_155 iter_args(%while3A_168 = %while3A_154) -> (vector<16xi32>)  : i32 {
      %get3A = arith.index_cast %while3A_167 : i32 to index
      %get3A_169 = arith.constant 0 : index
      %get3A_170 = tpu.vector_load %arg10[%get3A, %get3A_169] {strides = array<i32>} : memref<128x16xi32, #tpu.memory_space<vmem>>, vector<1x16xi32>,
      %get3A_171 = vector.shape_cast %get3A_170 : vector<1x16xi32> to vector<16xi32>
      %sub3A_172 = arith.constant 16 : i32
      %sub3A_173 = vector.broadcast %sub3A_172 : i32 to vector<16xi32>
      %sub3A_174 = arith.subi %sub3A_173, %get3A_171 : vector<16xi32>
      %min3A_175 = arith.constant 1 : i32
      %min3A_176 = vector.broadcast %min3A_175 : i32 to vector<16xi32>
      %min3A_177 = arith.minsi %sub3A_174, %min3A_176 : vector<16xi32>
      %add3A_178 = arith.addi %while3A_168, %min3A_177 : vector<16xi32>
      scf.yield %add3A_178 : vector<16xi32>
    }
    %convert_element_type3A_157 = arith.sitofp %while3A_156 : vector<16xi32> to vector<16xf32>
    %swap3A_158 = arith.constant 0 : index
    %swap3A_159 = tpu.vector_load %arg11[%swap3A_158] {strides = array<i32>} : memref<16xf32, #tpu.memory_space<vmem>>, vector<16xf32>,
    %swap3A_160 = vector.shape_cast %swap3A_159 : vector<16xf32> to vector<16xf32>
    %swap3A_161 = vector.shape_cast %convert_element_type3A_157 : vector<16xf32> to vector<16xf32>
    tpu.vector_store %arg11[%swap3A_158], %swap3A_161 {strides = array<i32>} : memref<16xf32, #tpu.memory_space<vmem>>, vector<16xf32>,
    %dma_wait3A_162 = arith.constant 0 : i32
    %dma_wait3A_163 = arith.constant 0 : i32
    %dma_wait3A_164 = tpu.memref_slice %arg2[%dma_wait3A_162, %dma_wait3A_163] : memref<160000x272xf32, #tpu.memory_space<hbm>> -> memref<160000x272xf32, #tpu.memory_space<hbm>>
    tpu.wait_indirect_dma semaphore(%arg12 : memref<!tpu.dma_semaphore, #tpu.memory_space<semaphore_mem>>) src(%dma_wait3A_164 : memref<160000x272xf32, #tpu.memory_space<hbm>>) dst(%arg9 : memref<128x272xf32, #tpu.memory_space<vmem>>)
    "tpu.region"() ({
      %run_scoped3A = tpu.sem_alloc : memref<!tpu.dma_semaphore, #tpu.memory_space<semaphore_mem>>
      %dma_start3A_167 = arith.constant 0 : i32
      %dma_start3A_168 = tpu.memref_slice %arg5[%add3A_126, %dma_start3A_167] : memref<16384x272xf32, #tpu.memory_space<hbm>> -> memref<128x272xf32, #tpu.memory_space<hbm>>
      %dma_start3A_169 = arith.constant 0 : i32
      %dma_start3A_170 = tpu.memref_slice %arg5[%add3A_126, %dma_start3A_169] : memref<16384x272xf32, #tpu.memory_space<hbm>> -> memref<128x272xf32, #tpu.memory_space<hbm>>
      tpu.enqueue_dma source(%arg9 : memref<128x272xf32, #tpu.memory_space<vmem>>) target(%dma_start3A_170 : memref<128x272xf32, #tpu.memory_space<hbm>>) target_semaphore(%run_scoped3A : memref<!tpu.dma_semaphore, #tpu.memory_space<semaphore_mem>>)
      %dma_wait3A_171 = arith.constant 0 : i32
      %dma_wait3A_172 = tpu.memref_slice %arg5[%add3A_126, %dma_wait3A_171] : memref<16384x272xf32, #tpu.memory_space<hbm>> -> memref<128x272xf32, #tpu.memory_space<hbm>>
      %dma_wait3A_173 = arith.constant 0 : i32
      %dma_wait3A_174 = tpu.memref_slice %arg5[%add3A_126, %dma_wait3A_173] : memref<16384x272xf32, #tpu.memory_space<hbm>> -> memref<128x272xf32, #tpu.memory_space<hbm>>
      tpu.wait_dma2 semaphore(%run_scoped3A : memref<!tpu.dma_semaphore, #tpu.memory_space<semaphore_mem>>) src(%arg9 : memref<128x272xf32, #tpu.memory_space<vmem>>) dst(%dma_wait3A_174 : memref<128x272xf32, #tpu.memory_space<hbm>>)
      tpu.yield
    }) : () -> ()
    "tpu.region"() ({
      %run_scoped3A = tpu.sem_alloc : memref<!tpu.dma_semaphore, #tpu.memory_space<semaphore_mem>>
      %dma_start3A_167 = arith.constant 0 : i32
      %dma_start3A_168 = tpu.memref_slice %arg6[%add3A_126, %dma_start3A_167] : memref<16384x16xi32, #tpu.memory_space<hbm>> -> memref<128x16xi32, #tpu.memory_space<hbm>>
      %dma_start3A_169 = arith.constant 0 : i32
      %dma_start3A_170 = tpu.memref_slice %arg6[%add3A_126, %dma_start3A_169] : memref<16384x16xi32, #tpu.memory_space<hbm>> -> memref<128x16xi32, #tpu.memory_space<hbm>>
      tpu.enqueue_dma source(%arg10 : memref<128x16xi32, #tpu.memory_space<vmem>>) target(%dma_start3A_170 : memref<128x16xi32, #tpu.memory_space<hbm>>) target_semaphore(%run_scoped3A : memref<!tpu.dma_semaphore, #tpu.memory_space<semaphore_mem>>)
      %dma_wait3A_171 = arith.constant 0 : i32
      %dma_wait3A_172 = tpu.memref_slice %arg6[%add3A_126, %dma_wait3A_171] : memref<16384x16xi32, #tpu.memory_space<hbm>> -> memref<128x16xi32, #tpu.memory_space<hbm>>
      %dma_wait3A_173 = arith.constant 0 : i32
      %dma_wait3A_174 = tpu.memref_slice %arg6[%add3A_126, %dma_wait3A_173] : memref<16384x16xi32, #tpu.memory_space<hbm>> -> memref<128x16xi32, #tpu.memory_space<hbm>>
      tpu.wait_dma2 semaphore(%run_scoped3A : memref<!tpu.dma_semaphore, #tpu.memory_space<semaphore_mem>>) src(%arg10 : memref<128x16xi32, #tpu.memory_space<vmem>>) dst(%dma_wait3A_174 : memref<128x16xi32, #tpu.memory_space<hbm>>)
      tpu.yield
    }) : () -> ()
    %add3A_165 = arith.constant 96 : i32
    %add3A_166 = arith.addi %add3A_165, %add3A : i32
    "tpu.region"() ({
      %run_scoped3A = tpu.sem_alloc : memref<!tpu.dma_semaphore, #tpu.memory_space<semaphore_mem>>
      %dma_start3A_167 = arith.constant 0 : i32
      %dma_start3A_168 = tpu.memref_slice %arg7[%add3A_166, %dma_start3A_167] : memref<128x16xf32, #tpu.memory_space<hbm>> -> memref<1x16xf32, #tpu.memory_space<hbm>>
      %dma_start3A_169 = tpu.memref_squeeze %dma_start3A_168 : memref<1x16xf32, #tpu.memory_space<hbm>> -> memref<16xf32, #tpu.memory_space<hbm>>
      %dma_start3A_170 = arith.constant 0 : i32
      %dma_start3A_171 = tpu.memref_slice %arg7[%add3A_166, %dma_start3A_170] : memref<128x16xf32, #tpu.memory_space<hbm>> -> memref<1x16xf32, #tpu.memory_space<hbm>>
      %dma_start3A_172 = tpu.memref_squeeze %dma_start3A_171 : memref<1x16xf32, #tpu.memory_space<hbm>> -> memref<16xf32, #tpu.memory_space<hbm>>
      tpu.enqueue_dma source(%arg11 : memref<16xf32, #tpu.memory_space<vmem>>) target(%dma_start3A_172 : memref<16xf32, #tpu.memory_space<hbm>>) target_semaphore(%run_scoped3A : memref<!tpu.dma_semaphore, #tpu.memory_space<semaphore_mem>>)
      %dma_wait3A_173 = arith.constant 0 : i32
      %dma_wait3A_174 = tpu.memref_slice %arg7[%add3A_166, %dma_wait3A_173] : memref<128x16xf32, #tpu.memory_space<hbm>> -> memref<1x16xf32, #tpu.memory_space<hbm>>
      %dma_wait3A_175 = tpu.memref_squeeze %dma_wait3A_174 : memref<1x16xf32, #tpu.memory_space<hbm>> -> memref<16xf32, #tpu.memory_space<hbm>>
      %dma_wait3A_176 = arith.constant 0 : i32
      %dma_wait3A_177 = tpu.memref_slice %arg7[%add3A_166, %dma_wait3A_176] : memref<128x16xf32, #tpu.memory_space<hbm>> -> memref<1x16xf32, #tpu.memory_space<hbm>>
      %dma_wait3A_178 = tpu.memref_squeeze %dma_wait3A_177 : memref<1x16xf32, #tpu.memory_space<hbm>> -> memref<16xf32, #tpu.memory_space<hbm>>
      tpu.wait_dma2 semaphore(%run_scoped3A : memref<!tpu.dma_semaphore, #tpu.memory_space<semaphore_mem>>) src(%arg11 : memref<16xf32, #tpu.memory_space<vmem>>) dst(%dma_wait3A_178 : memref<16xf32, #tpu.memory_space<hbm>>)
      tpu.yield
    }) : () -> ()
    return
  }
}

module attributes {stable_mosaic.version = 14 : i64} {
  func.func @_tc_loss_body(%arg0: i32, %arg1: i32, %arg2: memref<512x272xf32, #tpu.memory_space<vmem>>, %arg3: memref<512x16xi32, #tpu.memory_space<vmem>>, %arg4: memref<32x16xf32, #tpu.memory_space<vmem>>, %arg5: memref<1x1xf32, #tpu.memory_space<smem>>, %arg6: memref<3xf32, #tpu.memory_space<smem>>) attributes {dimension_semantics = [#tpu.dimension_semantics<arbitrary>, #tpu.dimension_semantics<arbitrary>], iteration_bounds = array<i64: 4, 8>, scalar_prefetch = 0 : i64, scratch_operands = 1 : i64, tpu.core_type = #tpu.core_type<tc>, window_params = [{transform_indices = @transform_0, window_bounds = array<i64: 512, 272>}, {transform_indices = @transform_1, window_bounds = array<i64: 512, 16>}, {transform_indices = @transform_2, window_bounds = array<i64: 32, 16>}, {transform_indices = @transform_3, window_bounds = array<i64: 1, 1>}]} {
    %eq3A = arith.constant 0 : i32
    %eq3A_0 = arith.cmpi eq, %arg0, %eq3A : i32
    %eq3A_1 = arith.constant 0 : i32
    %eq3A_2 = arith.cmpi eq, %arg1, %eq3A_1 : i32
    %and3A = arith.andi %eq3A_0, %eq3A_2 : i1
    %convert_element_type3A = arith.extui %and3A : i1 to i32
    %cond3A = arith.constant 0 : i32
    %cond3A_3 = arith.cmpi ne, %convert_element_type3A, %cond3A : i32
    scf.if %cond3A_3 {
      %swap3A_189 = arith.constant 0.000000e+00 : f32
      %swap3A_190 = arith.constant 2 : index
      %swap3A_191 = memref.load %arg6[%swap3A_190] : memref<3xf32, #tpu.memory_space<smem>>
      memref.store %swap3A_189, %arg6[%swap3A_190] : memref<3xf32, #tpu.memory_space<smem>>
    } else {
    }
    %eq3A_4 = arith.constant 0 : i32
    %eq3A_5 = arith.cmpi eq, %arg1, %eq3A_4 : i32
    %convert_element_type3A_6 = arith.extui %eq3A_5 : i1 to i32
    %cond3A_7 = arith.constant 0 : i32
    %cond3A_8 = arith.cmpi ne, %convert_element_type3A_6, %cond3A_7 : i32
    scf.if %cond3A_8 {
      %swap3A_189 = arith.constant 0.000000e+00 : f32
      %swap3A_190 = arith.constant 0 : index
      %swap3A_191 = memref.load %arg6[%swap3A_190] : memref<3xf32, #tpu.memory_space<smem>>
      memref.store %swap3A_189, %arg6[%swap3A_190] : memref<3xf32, #tpu.memory_space<smem>>
      %swap3A_192 = arith.constant 0.000000e+00 : f32
      %swap3A_193 = arith.constant 1 : index
      %swap3A_194 = memref.load %arg6[%swap3A_193] : memref<3xf32, #tpu.memory_space<smem>>
      memref.store %swap3A_192, %arg6[%swap3A_193] : memref<3xf32, #tpu.memory_space<smem>>
    } else {
    }
    %get3A = arith.constant 0 : index
    %get3A_9 = arith.constant 0 : index
    %get3A_10 = vector.load %arg2[%get3A, %get3A_9] : memref<512x272xf32, #tpu.memory_space<vmem>>, vector<512x272xf32>
    %get3A_11 = arith.constant 0 : index
    %get3A_12 = arith.constant 0 : index
    %get3A_13 = vector.load %arg3[%get3A_11, %get3A_12] : memref<512x16xi32, #tpu.memory_space<vmem>>, vector<512x16xi32>
    %get3A_14 = arith.constant 0 : index
    %get3A_15 = arith.constant 0 : index
    %get3A_16 = vector.load %arg4[%get3A_14, %get3A_15] : memref<32x16xf32, #tpu.memory_space<vmem>>, vector<32x16xf32>
    %reduce_sum3A = arith.constant dense<0.000000e+00> : vector<16xf32>
    %reduce_sum3A_17 = vector.multi_reduction <add>, %get3A_16, %reduce_sum3A [0] : vector<32x16xf32> to vector<16xf32>
    %broadcast_in_dim3A = vector.shape_cast %reduce_sum3A_17 : vector<16xf32> to vector<1x16xf32>
    %reduce_max3A = vector.shape_cast %broadcast_in_dim3A : vector<1x16xf32> to vector<1x1x16xf32>
    %reduce_max3A_18 = arith.constant dense<0xFF800000> : vector<1xf32>
    %reduce_max3A_19 = vector.multi_reduction <maximumf>, %reduce_max3A, %reduce_max3A_18 [1, 2] : vector<1x1x16xf32> to vector<1xf32>
    %reduce_max3A_20 = vector.shape_cast %reduce_max3A_19 : vector<1xf32> to vector<1x1x1xf32>
    %reduce_max3A_21 = vector.extract %reduce_max3A_20[0, 0, 0] : f32 from vector<1x1x1xf32>
    %max3A = arith.constant 1.000000e+00 : f32
    %max3A_22 = arith.maximumf %reduce_max3A_21, %max3A : f32
    %gt3A = arith.constant 0.000000e+00 : f32
    %gt3A_23 = vector.broadcast %gt3A : f32 to vector<1x16xf32>
    %gt3A_24 = arith.cmpf ogt, %broadcast_in_dim3A, %gt3A_23 : vector<1x16xf32>
    %div3A = vector.broadcast %max3A_22 : f32 to vector<1x16xf32>
    %div3A_25 = arith.divf %broadcast_in_dim3A, %div3A : vector<1x16xf32>
    %mul3A = arith.constant -1.09861231 : f32
    %mul3A_26 = vector.broadcast %mul3A : f32 to vector<1x16xf32>
    %mul3A_27 = arith.mulf %div3A_25, %mul3A_26 : vector<1x16xf32>
    %exp3A = math.exp %mul3A_27 : vector<1x16xf32>
    %mul3A_28 = arith.constant 3.000000e+00 : f32
    %mul3A_29 = vector.broadcast %mul3A_28 : f32 to vector<1x16xf32>
    %mul3A_30 = arith.mulf %mul3A_29, %exp3A : vector<1x16xf32>
    %jit3A = arith.constant 0.000000e+00 : f32
    %broadcast_in_dim3A_31 = vector.broadcast %jit3A : f32 to vector<1x16xf32>
    %select_n3A = arith.select %gt3A_24, %mul3A_30, %broadcast_in_dim3A_31 : vector<1x16xi1>, vector<1x16xf32>
    %iota3A = tpu.iota {dimensions = array<i32: 0>} : vector<272x16xi32>
    %iota3A_32 = tpu.iota {dimensions = array<i32: 1>} : vector<272x16xi32>
    %jit3A_33 = arith.constant 17 : i32
    %div3A_34 = vector.broadcast %jit3A_33 : i32 to vector<272x16xi32>
    %div3A_35 = arith.divsi %iota3A, %div3A_34 : vector<272x16xi32>
    %sign3A = arith.constant 0 : i32
    %sign3A_36 = vector.broadcast %sign3A : i32 to vector<272x16xi32>
    %sign3A_37 = arith.cmpi sgt, %iota3A, %sign3A_36 : vector<272x16xi32>
    %sign3A_38 = arith.extui %sign3A_37 : vector<272x16xi1> to vector<272x16xi32>
    %sign3A_39 = arith.constant 0 : i32
    %sign3A_40 = vector.broadcast %sign3A_39 : i32 to vector<272x16xi32>
    %sign3A_41 = arith.cmpi slt, %iota3A, %sign3A_40 : vector<272x16xi32>
    %sign3A_42 = arith.extui %sign3A_41 : vector<272x16xi1> to vector<272x16xi32>
    %sign3A_43 = arith.subi %sign3A_38, %sign3A_42 : vector<272x16xi32>
    %sign3A_44 = arith.constant 0 : i32
    %sign3A_45 = arith.cmpi sgt, %jit3A_33, %sign3A_44 : i32
    %sign3A_46 = arith.extui %sign3A_45 : i1 to i32
    %sign3A_47 = arith.constant 0 : i32
    %sign3A_48 = arith.cmpi slt, %jit3A_33, %sign3A_47 : i32
    %sign3A_49 = arith.extui %sign3A_48 : i1 to i32
    %sign3A_50 = arith.subi %sign3A_46, %sign3A_49 : i32
    %ne3A = vector.broadcast %sign3A_50 : i32 to vector<272x16xi32>
    %ne3A_51 = arith.cmpi ne, %sign3A_43, %ne3A : vector<272x16xi32>
    %rem3A = vector.broadcast %jit3A_33 : i32 to vector<272x16xi32>
    %rem3A_52 = arith.remsi %iota3A, %rem3A : vector<272x16xi32>
    %ne3A_53 = arith.constant 0 : i32
    %ne3A_54 = vector.broadcast %ne3A_53 : i32 to vector<272x16xi32>
    %ne3A_55 = arith.cmpi ne, %rem3A_52, %ne3A_54 : vector<272x16xi32>
    %and3A_56 = arith.andi %ne3A_51, %ne3A_55 : vector<272x16xi1>
    %sub3A = arith.constant 1 : i32
    %sub3A_57 = vector.broadcast %sub3A : i32 to vector<272x16xi32>
    %sub3A_58 = arith.subi %div3A_35, %sub3A_57 : vector<272x16xi32>
    %select_n3A_59 = arith.select %and3A_56, %sub3A_58, %div3A_35 : vector<272x16xi1>, vector<272x16xi32>
    %eq3A_60 = arith.cmpi eq, %select_n3A_59, %iota3A_32 : vector<272x16xi32>
    %convert_element_type3A_61 = arith.extui %eq3A_60 : vector<272x16xi1> to vector<272x16xi32>
    %convert_element_type3A_62 = arith.sitofp %convert_element_type3A_61 : vector<272x16xi32> to vector<272x16xf32>
    %iota3A_63 = tpu.iota {dimensions = array<i32: 1>} : vector<16x272xi32>
    %iota3A_64 = tpu.iota {dimensions = array<i32: 0>} : vector<16x272xi32>
    %jit3A_65 = arith.constant 17 : i32
    %div3A_66 = vector.broadcast %jit3A_65 : i32 to vector<16x272xi32>
    %div3A_67 = arith.divsi %iota3A_63, %div3A_66 : vector<16x272xi32>
    %sign3A_68 = arith.constant 0 : i32
    %sign3A_69 = vector.broadcast %sign3A_68 : i32 to vector<16x272xi32>
    %sign3A_70 = arith.cmpi sgt, %iota3A_63, %sign3A_69 : vector<16x272xi32>
    %sign3A_71 = arith.extui %sign3A_70 : vector<16x272xi1> to vector<16x272xi32>
    %sign3A_72 = arith.constant 0 : i32
    %sign3A_73 = vector.broadcast %sign3A_72 : i32 to vector<16x272xi32>
    %sign3A_74 = arith.cmpi slt, %iota3A_63, %sign3A_73 : vector<16x272xi32>
    %sign3A_75 = arith.extui %sign3A_74 : vector<16x272xi1> to vector<16x272xi32>
    %sign3A_76 = arith.subi %sign3A_71, %sign3A_75 : vector<16x272xi32>
    %sign3A_77 = arith.constant 0 : i32
    %sign3A_78 = arith.cmpi sgt, %jit3A_65, %sign3A_77 : i32
    %sign3A_79 = arith.extui %sign3A_78 : i1 to i32
    %sign3A_80 = arith.constant 0 : i32
    %sign3A_81 = arith.cmpi slt, %jit3A_65, %sign3A_80 : i32
    %sign3A_82 = arith.extui %sign3A_81 : i1 to i32
    %sign3A_83 = arith.subi %sign3A_79, %sign3A_82 : i32
    %ne3A_84 = vector.broadcast %sign3A_83 : i32 to vector<16x272xi32>
    %ne3A_85 = arith.cmpi ne, %sign3A_76, %ne3A_84 : vector<16x272xi32>
    %rem3A_86 = vector.broadcast %jit3A_65 : i32 to vector<16x272xi32>
    %rem3A_87 = arith.remsi %iota3A_63, %rem3A_86 : vector<16x272xi32>
    %ne3A_88 = arith.constant 0 : i32
    %ne3A_89 = vector.broadcast %ne3A_88 : i32 to vector<16x272xi32>
    %ne3A_90 = arith.cmpi ne, %rem3A_87, %ne3A_89 : vector<16x272xi32>
    %and3A_91 = arith.andi %ne3A_85, %ne3A_90 : vector<16x272xi1>
    %sub3A_92 = arith.constant 1 : i32
    %sub3A_93 = vector.broadcast %sub3A_92 : i32 to vector<16x272xi32>
    %sub3A_94 = arith.subi %div3A_67, %sub3A_93 : vector<16x272xi32>
    %select_n3A_95 = arith.select %and3A_91, %sub3A_94, %div3A_67 : vector<16x272xi1>, vector<16x272xi32>
    %eq3A_96 = arith.cmpi eq, %select_n3A_95, %iota3A_64 : vector<16x272xi32>
    %convert_element_type3A_97 = arith.extui %eq3A_96 : vector<16x272xi1> to vector<16x272xi32>
    %convert_element_type3A_98 = arith.sitofp %convert_element_type3A_97 : vector<16x272xi32> to vector<16x272xf32>
    %iota3A_99 = tpu.iota {dimensions = array<i32: 1>} : vector<1x272xi32>
    %jit3A_100 = arith.constant 17 : i32
    %eq3A_101 = arith.constant 0 : i32
    %eq3A_102 = arith.cmpi eq, %jit3A_100, %eq3A_101 : i32
    %jit3A_103 = arith.constant 1 : i32
    %select_n3A_104 = arith.select %eq3A_102, %jit3A_103, %jit3A_100 : i32
    %rem3A_105 = vector.broadcast %select_n3A_104 : i32 to vector<1x272xi32>
    %rem3A_106 = arith.remsi %iota3A_99, %rem3A_105 : vector<1x272xi32>
    %ne3A_107 = arith.constant 0 : i32
    %ne3A_108 = vector.broadcast %ne3A_107 : i32 to vector<1x272xi32>
    %ne3A_109 = arith.cmpi ne, %rem3A_106, %ne3A_108 : vector<1x272xi32>
    %lt3A = arith.constant 0 : i32
    %lt3A_110 = vector.broadcast %lt3A : i32 to vector<1x272xi32>
    %lt3A_111 = arith.cmpi slt, %rem3A_106, %lt3A_110 : vector<1x272xi32>
    %lt3A_112 = arith.constant 0 : i32
    %lt3A_113 = arith.cmpi slt, %select_n3A_104, %lt3A_112 : i32
    %ne3A_114 = vector.broadcast %lt3A_113 : i1 to vector<1x272xi1>
    %ne3A_115 = vector.broadcast %ne3A_114 : vector<1x272xi1> to vector<1x272xi1>
    %ne3A_116 = arith.xori %lt3A_111, %ne3A_115 : vector<1x272xi1>
    %and3A_117 = arith.andi %ne3A_116, %ne3A_109 : vector<1x272xi1>
    %add3A = vector.broadcast %select_n3A_104 : i32 to vector<1x272xi32>
    %add3A_118 = arith.addi %rem3A_106, %add3A : vector<1x272xi32>
    %select_n3A_119 = arith.select %and3A_117, %add3A_118, %rem3A_106 : vector<1x272xi1>, vector<1x272xi32>
    %convert_element_type3A_120 = arith.sitofp %select_n3A_119 : vector<1x272xi32> to vector<1x272xf32>
    %exp3A_121 = math.exp %get3A_10 : vector<512x272xf32>
    %convert_element_type3A_122 = arith.sitofp %get3A_13 : vector<512x16xi32> to vector<512x16xf32>
    %dot_general3A = arith.constant dense<0.000000e+00> : vector<512x272xf32>
    %dot_general3A_123 = tpu.matmul %convert_element_type3A_122, %convert_element_type3A_98, %dot_general3A {dimension_numbers = #tpu.dot_dimension_numbers<[1], [0], [0], [1], [0, 0, 1, 1], [], []>, transpose_lhs_hint = false} : vector<512x16xf32>, vector<16x272xf32>, vector<512x272xf32> -> vector<512x272xf32>
    %eq3A_124 = vector.broadcast %convert_element_type3A_120 : vector<1x272xf32> to vector<512x272xf32>
    %eq3A_125 = arith.cmpf oeq, %eq3A_124, %dot_general3A_123 : vector<512x272xf32>
    %convert_element_type3A_126 = arith.extui %eq3A_125 : vector<512x272xi1> to vector<512x272xi32>
    %convert_element_type3A_127 = arith.sitofp %convert_element_type3A_126 : vector<512x272xi32> to vector<512x272xf32>
    %mul3A_128 = arith.mulf %exp3A_121, %convert_element_type3A_127 : vector<512x272xf32>
    %dot_general3A_129 = arith.constant dense<0.000000e+00> : vector<512x16xf32>
    %dot_general3A_130 = tpu.matmul %mul3A_128, %convert_element_type3A_62, %dot_general3A_129 {dimension_numbers = #tpu.dot_dimension_numbers<[1], [0], [0], [1], [0, 0, 1, 1], [], []>, transpose_lhs_hint = false} : vector<512x272xf32>, vector<272x16xf32>, vector<512x16xf32> -> vector<512x16xf32>
    %dot_general3A_131 = arith.constant dense<0.000000e+00> : vector<512x16xf32>
    %dot_general3A_132 = tpu.matmul %exp3A_121, %convert_element_type3A_62, %dot_general3A_131 {dimension_numbers = #tpu.dot_dimension_numbers<[1], [0], [0], [1], [0, 0, 1, 1], [], []>, transpose_lhs_hint = false} : vector<512x272xf32>, vector<272x16xf32>, vector<512x16xf32> -> vector<512x16xf32>
    %div3A_133 = arith.divf %dot_general3A_130, %dot_general3A_132 : vector<512x16xf32>
    %add3A_134 = arith.constant 1.000000e-03 : f32
    %add3A_135 = vector.broadcast %add3A_134 : f32 to vector<512x16xf32>
    %add3A_136 = arith.addf %div3A_133, %add3A_135 : vector<512x16xf32>
    %log3A = math.log %add3A_136 : vector<512x16xf32>
    %mul3A_137 = vector.broadcast %select_n3A : vector<1x16xf32> to vector<512x16xf32>
    %mul3A_138 = arith.mulf %mul3A_137, %log3A : vector<512x16xf32>
    %abs3A = math.absf %mul3A_138 : vector<512x16xf32>
    %lt3A_139 = arith.constant 1.000000e+00 : f32
    %lt3A_140 = vector.broadcast %lt3A_139 : f32 to vector<512x16xf32>
    %lt3A_141 = arith.cmpf olt, %abs3A, %lt3A_140 : vector<512x16xf32>
    %mul3A_142 = arith.constant 5.000000e-01 : f32
    %mul3A_143 = vector.broadcast %mul3A_142 : f32 to vector<512x16xf32>
    %mul3A_144 = arith.mulf %mul3A_143, %mul3A_138 : vector<512x16xf32>
    %mul3A_145 = arith.mulf %mul3A_144, %mul3A_138 : vector<512x16xf32>
    %sub3A_146 = arith.constant 5.000000e-01 : f32
    %sub3A_147 = vector.broadcast %sub3A_146 : f32 to vector<512x16xf32>
    %sub3A_148 = arith.subf %abs3A, %sub3A_147 : vector<512x16xf32>
    %select_n3A_149 = arith.select %lt3A_141, %mul3A_145, %sub3A_148 : vector<512x16xi1>, vector<512x16xf32>
    %mul3A_150 = arith.constant 512 : i32
    %mul3A_151 = arith.muli %arg1, %mul3A_150 : i32
    %iota3A_152 = tpu.iota {dimensions = array<i32: 0>} : vector<512x16xi32>
    %add3A_153 = vector.broadcast %mul3A_151 : i32 to vector<512x16xi32>
    %add3A_154 = arith.addi %add3A_153, %iota3A_152 : vector<512x16xi32>
    %ne3A_155 = arith.constant 16 : i32
    %ne3A_156 = vector.broadcast %ne3A_155 : i32 to vector<512x16xi32>
    %ne3A_157 = arith.cmpi ne, %get3A_13, %ne3A_156 : vector<512x16xi32>
    %lt3A_158 = arith.constant 4000 : i32
    %lt3A_159 = vector.broadcast %lt3A_158 : i32 to vector<512x16xi32>
    %lt3A_160 = arith.cmpi slt, %add3A_154, %lt3A_159 : vector<512x16xi32>
    %and3A_161 = arith.andi %ne3A_157, %lt3A_160 : vector<512x16xi1>
    %convert_element_type3A_162 = arith.extui %and3A_161 : vector<512x16xi1> to vector<512x16xi32>
    %convert_element_type3A_163 = arith.sitofp %convert_element_type3A_162 : vector<512x16xi32> to vector<512x16xf32>
    %get3A_164 = arith.constant 0 : index
    %get3A_165 = memref.load %arg6[%get3A_164] : memref<3xf32, #tpu.memory_space<smem>>
    %mul3A_166 = arith.mulf %select_n3A_149, %convert_element_type3A_163 : vector<512x16xf32>
    %reduce_sum3A_167 = vector.shape_cast %mul3A_166 : vector<512x16xf32> to vector<1x512x16xf32>
    %reduce_sum3A_168 = arith.constant dense<0.000000e+00> : vector<1xf32>
    %reduce_sum3A_169 = vector.multi_reduction <add>, %reduce_sum3A_167, %reduce_sum3A_168 [1, 2] : vector<1x512x16xf32> to vector<1xf32>
    %reduce_sum3A_170 = vector.shape_cast %reduce_sum3A_169 : vector<1xf32> to vector<1x1x1xf32>
    %reduce_sum3A_171 = vector.extract %reduce_sum3A_170[0, 0, 0] : f32 from vector<1x1x1xf32>
    %add3A_172 = arith.addf %get3A_165, %reduce_sum3A_171 : f32
    %swap3A = arith.constant 0 : index
    %swap3A_173 = memref.load %arg6[%swap3A] : memref<3xf32, #tpu.memory_space<smem>>
    memref.store %add3A_172, %arg6[%swap3A] : memref<3xf32, #tpu.memory_space<smem>>
    %get3A_174 = arith.constant 1 : index
    %get3A_175 = memref.load %arg6[%get3A_174] : memref<3xf32, #tpu.memory_space<smem>>
    %reduce_sum3A_176 = vector.shape_cast %convert_element_type3A_163 : vector<512x16xf32> to vector<1x512x16xf32>
    %reduce_sum3A_177 = arith.constant dense<0.000000e+00> : vector<1xf32>
    %reduce_sum3A_178 = vector.multi_reduction <add>, %reduce_sum3A_176, %reduce_sum3A_177 [1, 2] : vector<1x512x16xf32> to vector<1xf32>
    %reduce_sum3A_179 = vector.shape_cast %reduce_sum3A_178 : vector<1xf32> to vector<1x1x1xf32>
    %reduce_sum3A_180 = vector.extract %reduce_sum3A_179[0, 0, 0] : f32 from vector<1x1x1xf32>
    %add3A_181 = arith.addf %get3A_175, %reduce_sum3A_180 : f32
    %swap3A_182 = arith.constant 1 : index
    %swap3A_183 = memref.load %arg6[%swap3A_182] : memref<3xf32, #tpu.memory_space<smem>>
    memref.store %add3A_181, %arg6[%swap3A_182] : memref<3xf32, #tpu.memory_space<smem>>
    %eq3A_184 = arith.constant 7 : i32
    %eq3A_185 = arith.cmpi eq, %arg1, %eq3A_184 : i32
    %convert_element_type3A_186 = arith.extui %eq3A_185 : i1 to i32
    %cond3A_187 = arith.constant 0 : i32
    %cond3A_188 = arith.cmpi ne, %convert_element_type3A_186, %cond3A_187 : i32
    scf.if %cond3A_188 {
      %get3A_189 = arith.constant 2 : index
      %get3A_190 = memref.load %arg6[%get3A_189] : memref<3xf32, #tpu.memory_space<smem>>
      %get3A_191 = arith.constant 0 : index
      %get3A_192 = memref.load %arg6[%get3A_191] : memref<3xf32, #tpu.memory_space<smem>>
      %get3A_193 = arith.constant 1 : index
      %get3A_194 = memref.load %arg6[%get3A_193] : memref<3xf32, #tpu.memory_space<smem>>
      %div3A_195 = arith.divf %get3A_192, %get3A_194 : f32
      %add3A_196 = arith.addf %get3A_190, %div3A_195 : f32
      %swap3A_197 = arith.constant 2 : index
      %swap3A_198 = memref.load %arg6[%swap3A_197] : memref<3xf32, #tpu.memory_space<smem>>
      memref.store %add3A_196, %arg6[%swap3A_197] : memref<3xf32, #tpu.memory_space<smem>>
      %eq3A_199 = arith.constant 3 : i32
      %eq3A_200 = arith.cmpi eq, %arg0, %eq3A_199 : i32
      %convert_element_type3A_201 = arith.extui %eq3A_200 : i1 to i32
      %cond3A_202 = arith.constant 0 : i32
      %cond3A_203 = arith.cmpi ne, %convert_element_type3A_201, %cond3A_202 : i32
      scf.if %cond3A_203 {
        %get3A_204 = arith.constant 2 : index
        %get3A_205 = memref.load %arg6[%get3A_204] : memref<3xf32, #tpu.memory_space<smem>>
        %mul3A_206 = arith.constant 2.500000e-01 : f32
        %mul3A_207 = arith.mulf %get3A_205, %mul3A_206 : f32
        %swap3A_208 = arith.constant 0 : index
        %swap3A_209 = arith.constant 0 : index
        %swap3A_210 = memref.load %arg5[%swap3A_208, %swap3A_209] : memref<1x1xf32, #tpu.memory_space<smem>>
        memref.store %mul3A_207, %arg5[%swap3A_208, %swap3A_209] : memref<1x1xf32, #tpu.memory_space<smem>>
      } else {
      }
    } else {
    }
    return
  }
  func.func @transform_0(%arg0: i32, %arg1: i32) -> (i32, i32) {
    %mul3A = arith.constant 8 : i32
    %mul3A_0 = arith.muli %arg0, %mul3A : i32
    %add3A = arith.addi %mul3A_0, %arg1 : i32
    %c0_i32 = arith.constant 0 : i32
    %c0_i32_1 = arith.constant 0 : i32
    return %add3A, %c0_i32 : i32, i32
  }
  func.func @transform_1(%arg0: i32, %arg1: i32) -> (i32, i32) {
    %mul3A = arith.constant 8 : i32
    %mul3A_0 = arith.muli %arg0, %mul3A : i32
    %add3A = arith.addi %mul3A_0, %arg1 : i32
    %c0_i32 = arith.constant 0 : i32
    %c0_i32_1 = arith.constant 0 : i32
    return %add3A, %c0_i32 : i32, i32
  }
  func.func @transform_2(%arg0: i32, %arg1: i32) -> (i32, i32) {
    %c0_i32 = arith.constant 0 : i32
    %c0_i32_0 = arith.constant 0 : i32
    return %arg0, %c0_i32 : i32, i32
  }
  func.func @transform_3(%arg0: i32, %arg1: i32) -> (i32, i32) {
    %c0_i32 = arith.constant 0 : i32
    %c0_i32_0 = arith.constant 0 : i32
    %c0_i32_1 = arith.constant 0 : i32
    return %c0_i32, %c0_i32_0 : i32, i32
  }
}

</mosaic_0001>

<sc_bundles>
// kernel: kernel.4.cloned.1.call-start
scs
__scs_entry_jumppad:
0x0: {  	(pc) =	sbr.rel $0x88, $3  }
0x1: {  	(tag) =	ssettag $0x0;
	lr =	simm.s32 $0x1  }
0x2: {  	[smem:$0x3F9F] =	sst lr;
	_ =	strace $0xD0000000  }
0x3: {  	_ = 	snop  }
0x4: {  	_ = 	snop  }
0x5: {  	_ = 	snop  }
0x6: {  	_ = 	snop  }
0x7: {  	_ = 	snop  }
__scs_overlays_trampoline_lowered:
0x8: {  	[smem:$0x3FAE] =	sst s0  }
0x9: {  	[smem:$0x3FAF] =	sst s1  }
0xa: {  	[smem:$0x3FB0] =	sst s2  }
0xb: {  	[smem:$0x3FB1] =	sst s3  }
0xc: {  	[smem:$0x3FB2] =	sst s4  }
0xd: {  	[smem:$0x3FB3] =	sst s5  }
0xe: {  	[smem:$0x3FB4] =	sst s6  }
0xf: {  	[smem:$0x3FB5] =	sst s7  }
0x10: {  	[smem:$0x3FB6] =	sst s8  }
0x11: {  	[smem:$0x3FB7] =	sst s9;
	s0 =	simm.s32 @!p0 $0x0  }
0x12: {  	s1 =	sld [smem:$0x3F9D];
	s0 =	simm.s32 @p0 $0x1  }
0x13: {  	[smem:$0x3FB8] =	sst s0;
	s0 =	simm.s32 @!p1 $0x0  }
0x14: {  	s2 =	sld [smem:$0x3F9C];
	s0 =	simm.s32 @p1 $0x1  }
0x15: {  	[smem:$0x3FB9] =	sst s0;
	s0 =	simm.s32 @!p2 $0x0  }
0x16: {  	s3 =	sld [smem:$0x3FDB];
	s0 =	simm.s32 @p2 $0x1  }
0x17: {  	s4 =	simm.s32 $0x1BF5;
	[smem:$0x3FBB] =	sst s0  }
0x18: {  	s0 =	sld [smem:$0x3F9E];
	_ =	swait.ge [sflag:s4], $0x0  }
0x19: {  	s7 =	sld [smem:$0x3F9F]  }
0x1a: {  	s8 =	sadd.s32 $0xFFFFE003, lr  }
0x1b: {  	s9 =	sadd.s32 $0xFFFFFEF7, lr;
	s5 =	simm.s32 $0xFFFFFFFF;
	p2 =	slt.u32 s8, $0xFFFFF086  }
0x1c: {  	p1 =	slt.u32 s9, $0xF7A;
	s5 =	simm.s32 @!p2 $0x0  }
0x1d: {  	s5 =	simm.s32 @p1 $0x1;
	p0 =	seq.s32 s7, s2  }
0x1e: {  	s7 =	smul.u32 @!p0 $0xF7A, s2;
	p2 =	seq.s32 @!p0 s5, $0x0  }
0x1f: {  	s9 =	smul.u32 $0xF7A, s1;
	s8 =	simm.s32 @!p0 $0x1BF5;
	p2 =	por !p2, p0  }
0x20: {  	[sflag:s8] =	ssyncset.s32 @!p0 $0xFFFFF086;
	s6 =	sadd.s32 @!p0 s3, s7;
	s7 =	simm.s32 @!p0 $0x108  }
0x21: {  	s3 =	sadd.s32 s3, s9;
	s6 =	sadd.s32 @!p0 $0x88, s6;
	s7 =	simm.s32 @p2 $0x1082  }
0x22: {  	[simem:s7], [sflag:s8] =	dma.local @!p0 [hbm:s6], $0xF7A  }
0x23: {  	s9 =	sor.u32 $0xD0000000, s2;
	s6 =	simm.s32 $0x108;
	_ =	swait.ge @!p0 [sflag:s8], $0x0  }
0x24: {  	s3 =	sadd.s32 $0x88, s3;
	s6 =	simm.s32 @!p1 $0x1082;
	[sflag:s4] =	ssyncset.s32 $0xFFFFF086  }
0x25: {  	[simem:s6], [sflag:s4] =	dma.local [hbm:s3], $0xF7A  }
0x26: {  	[smem:$0x3F9F] =	sst s1;
	(tag) =	ssettag s2;
	_ =	strace s9  }
0x27: {  	s1 =	sld [smem:$0x3FAF]  }
0x28: {  	s2 =	sld [smem:$0x3FB0]  }
0x29: {  	s4 =	sld [smem:$0x3FB2]  }
0x2a: {  	p0 =	seq.s32 s5, $0x0;
	s5 =	sld [smem:$0x3FB3]  }
0x2b: {  	s6 =	sld [smem:$0x3FB4]  }
0x2c: {  	s7 =	sld [smem:$0x3FB5]  }
0x2d: {  	s3 =	simm.s32 $0x108;
	s8 =	sld [smem:$0x3FB6]  }
0x2e: {  	s3 =	simm.s32 @!p0 $0x1082;
	s9 =	sld [smem:$0x3FB7]  }
0x2f: {  	lr =	sadd.s32 s0, s3;
	s0 =	sld [smem:$0x3FAE]  }
0x30: {  	s3 =	sld [smem:$0x3FB1]  }
0x31: {  	[smem:$0x3FBA] =	sst s10  }
0x32: {  	s10 =	sld [smem:$0x3FB8];
	_ =	sdelay $0x3  }
0x33: {  	p0 =	seq.s32 s10, $0x1;
	s10 =	sld [smem:$0x3FBA];
	_ =	sdelay $0x3  }
0x34: {  	[smem:$0x3FBA] =	sst s10  }
0x35: {  	s10 =	sld [smem:$0x3FB9];
	_ =	sdelay $0x3  }
0x36: {  	p1 =	seq.s32 s10, $0x1;
	s10 =	sld [smem:$0x3FBA];
	_ =	sdelay $0x3  }
0x37: {  	[smem:$0x3FBA] =	sst s10  }
0x38: {  	s10 =	sld [smem:$0x3FBB]  }
0x39: {  	_ = 	snop;
	(pc) =	sbr.ind lr, $3  }
0x3a: {  	_ = 	snop  }
0x3b: {  	_ = 	snop  }
0x3c: {  	p2 =	seq.s32 s10, $0x1;
	s10 =	sld [smem:$0x3FBA]  }
0x3d: {  	_ =	shalt  }
0x3e: {  	_ =	shalt  }
0x3f: {  	_ =	shalt  }
0x40: {  	_ =	shalt  }
0x41: {  	_ =	shalt  }
0x42: {  	_ =	shalt  }
0x43: {  	_ =	shalt  }
0x44: {  	_ =	shalt  }
0x45: {  	_ =	shalt  }
0x46: {  	_ =	shalt  }
0x47: {  	_ =	shalt  }
0x48: {  	_ =	shalt  }
0x49: {  	_ =	shalt  }
0x4a: {  	_ =	shalt  }
0x4b: {  	_ =	shalt  }
0x4c: {  	_ =	shalt  }
0x4d: {  	_ =	shalt  }
0x4e: {  	_ =	shalt  }
0x4f: {  	_ =	shalt  }
0x50: {  	_ =	shalt  }
0x51: {  	_ =	shalt  }
0x52: {  	_ =	shalt  }
0x53: {  	_ =	shalt  }
0x54: {  	_ =	shalt  }
0x55: {  	_ =	shalt  }
0x56: {  	_ =	shalt  }
0x57: {  	_ =	shalt  }
0x58: {  	_ =	shalt  }
0x59: {  	_ =	shalt  }
0x5a: {  	_ =	shalt  }
0x5b: {  	_ =	shalt  }
0x5c: {  	_ =	shalt  }
0x5d: {  	_ =	shalt  }
0x5e: {  	_ =	shalt  }
0x5f: {  	_ =	shalt  }
0x60: {  	_ =	shalt  }
0x61: {  	_ =	shalt  }
0x62: {  	_ =	shalt  }
0x63: {  	_ =	shalt  }
0x64: {  	_ =	shalt  }
0x65: {  	_ =	shalt  }
0x66: {  	_ =	shalt  }
0x67: {  	_ =	shalt  }
0x68: {  	_ =	shalt  }
0x69: {  	_ =	shalt  }
0x6a: {  	_ =	shalt  }
0x6b: {  	_ =	shalt  }
0x6c: {  	_ =	shalt  }
0x6d: {  	_ =	shalt  }
0x6e: {  	_ =	shalt  }
0x6f: {  	_ =	shalt  }
0x70: {  	_ =	shalt  }
0x71: {  	_ =	shalt  }
0x72: {  	_ =	shalt  }
0x73: {  	_ =	shalt  }
0x74: {  	_ =	shalt  }
0x75: {  	_ =	shalt  }
0x76: {  	_ =	shalt  }
0x77: {  	_ =	shalt  }
0x78: {  	_ =	shalt  }
0x79: {  	_ =	shalt  }
0x7a: {  	_ =	shalt  }
0x7b: {  	_ =	shalt  }
0x7c: {  	_ =	shalt  }
0x7d: {  	_ =	shalt  }
0x7e: {  	_ =	shalt  }
0x7f: {  	_ =	shalt  }
0x80: {  	_ =	shalt  }
0x81: {  	_ =	shalt  }
0x82: {  	_ =	shalt  }
0x83: {  	_ =	shalt  }
0x84: {  	_ =	shalt  }
0x85: {  	_ =	shalt  }
0x86: {  	_ =	shalt  }
0x87: {  	_ =	shalt  }
.Lfunc_end0:
.L_simem_size_0:
called_computation.1_lowered:
.L_overlay_start_0:
0x88: {  	s2 =	sld [smem:$0x3FD9]  }
0x89: {  	s3 =	sld [smem:$0x3FFE];
	_ =	sdelay $0x1  }
0x8a: {  	s1 =	srdreg.scid  }
0x8b: {  	s0 =	sand.u32 $0x1, s1  }
0x8c: {  	s16 =	sshll.u32 s0, $0xA;
	s2 =	sadd.s32 s3, s2  }
0x8d: {  	s2 =	sadd.s32 s2, s16  }
0x8e: {  	[smem:$0x3FC6] =	sst s2  }
0x8f: {  	_ = 	snop  }
0x90: {  	(tm) =	ssettm $0x1  }
0x91: {  	s17 =	sld [smem:$0x3FFB];
	_ =	sdelay $0x3  }
0x92: {  	_ =	strace s17  }
0x93: {  	s2 =	sld [smem:$0x3FFC];
	_ =	sdelay $0x3  }
0x94: {  	_ =	strace s2  }
0x95: {  	s2 =	sld [smem:$0x3FFD];
	_ =	sdelay $0x3  }
0x96: {  	_ =	strace s2  }
0x97: {  	_ =	strace $0x8FFFFFFF  }
0x98: {  	s18 =	sld [smem:$0x3FDB];
	_ =	sdelay $0x1  }
0x99: {  	s19 =	simm.s32 $_scs_section_size  }
0x9a: {  	s4 =	simm.s32 $_size__tile_overlayer_lowered;
	s5 =	simm.s32 $_tile_overlayer_lowered  }
0x9b: {  	s22 =	simm.s32 $0x1BFF;
	s21 =	sshll.u32 s5, $0x1;
	s2 =	sadd.s32 s19, s18  }
0x9c: {  	s6 =	simm.s32 $0x0;
	s20 =	sshll.u32 s4, $0x1;
	s4 =	sadd.s32 s21, s2  }
0x9d: {  	[timem:s6], [sflag:s22] =	dma.local [hbm:s4], s20  }
0x9e: {  	_ =	swait.ge [sflag:s22], s20  }
0x9f: {  	s3 =	ssub.s32 $0x0, s20;
	[sflag:s22] =	ssyncset.done $0x0  }
0xa0: {  	[sflag:s22] =	ssyncadd.s32 s3;
	_ =	sdelay $0x1  }
0xa1: {  	s23 =	simm.s32 $0x1B8B  }
0xa2: {  	_ =	swait.ge [sflag:s23], $0x1  }
0xa3: {  	[sflag:s23] =	ssyncset.done $0x0  }
0xa4: {  	s25 =	simm.s32 $0x1B8E;
	s24 =	sld [smem:$0x3FFE];
	[sflag:s23] =	ssyncadd.s32 $0xFFFFFFFF  }
0xa5: {  	s26 =	simm.s32 $execute0_lowered;
	[smem:$0x3FD2] =	sst s25  }
0xa6: {  	s4 =	sshll.u32 s26, $0x1;
	_ =	strace $0x80000049;
	[dreg:$0x1] =	wrdreg $0xFFFFFFFF  }
0xa7: {  	s28 =	simm.s32 $_size_execute0_lowered;
	s2 =	sadd.s32 s2, s4;
	[dreg:$0x0] =	wrdreg $0x0  }
0xa8: {  	s4 =	sshll.u32 s28, $0x1;
	[dreg:$0x2] =	wrdreg s2  }
0xa9: {  	[dreg:$0x3] =	wrdreg s4  }
0xaa: {  	[dreg:$0x4] =	wrdreg $0xC0  }
0xab: {  	_ =	task [dreg:s6], $0x5FFFF  }
0xac: {  	[dreg:$0x1] =	wrdreg $0xFFFFFFFF  }
0xad: {  	[dreg:$0x0] =	wrdreg $0x60  }
0xae: {  	[dreg:$0x2] =	wrdreg s24  }
0xaf: {  	[dreg:$0x3] =	wrdreg $0x9  }
0xb0: {  	_ =	task.clear_ibuf [dreg:s6], $0x4FFFF;
	_ =	strace $0x90000049  }
0xb1: {  	s29 =	simm.s32 $0x9;
	_ =	strace $0x8000004B  }
0xb2: {  	_ =	swait.ge [sflag:s29], $0x1  }
0xb3: {  	[sflag:s29] =	ssyncadd.s32 $0xFFFFFFFF  }
0xb4: {  	_ =	strace $0x9000004B  }
0xb5: {  	_ =	sfence  }
0xb6: {  	s30 =	sld [smem:$0x0];
	_ =	sdelay $0x2  }
0xb7: {  	s31 =	sshll.u32 s1, $0xD;
	s1 =	sshrl.u32 s1, $0x2  }
0xb8: {  	s3 =	sand.u32 $0x4000, s31;
	s1 =	sadd.s32 s1, s30  }
0xb9: {  	s0 =	sor.u32 s3, s0;
	s1 =	sshll.u32 s1, $0x11  }
0xba: {  	s0 =	sor.u32 s1, s0  }
0xbb: {  	s0 =	sadd.s32 $0x8F2B, s0  }
0xbc: {  	[sflag:s0] =	ssyncadd.remote.s32 $0x1  }
0xbd: {  	_ =	sfence.sel $0xFFFF  }
0xbe: {  	[dreg:$0x0] =	wrdreg $0xFFFFFFFF;
	(pc) =	sbr.abs _section_cstart, $3  }
0xbf: {  	[dreg:$0x1] =	wrdreg $0xFFFFFFFF  }
0xc0: {  	_ =	task.clear_ibuf [dreg:s6], $0x2FFFF;
	_ =	strace $0x9FFFFFFF  }
0xc1: {  	(tm) =	ssettm $0x7FFFFFFF  }
tec
execute0_lowered:
.L_overlay_start_1:
0x0: {  	(tag) =	ssettag $0x1  }
0x1: {  	s0 =	rddreg [dreg:$0x0]  }
0x2: {  	s1 =	simm.s32 $0x0;
	s2 =	srdreg.scid;
	s24 =	stileid.u32  }
0x3: {  	s28 =	simm.s32 $0x9080;
	s29 =	simm.s32 $0x8880;
	s30 =	simm.s32 $0x0  }
0x4: {  	[smem:$0x7FF] =	sst s1;
	s3 =	sadd.s32 $0x2C0200, s0;
	s4 =	sadd.s32 $0x272000, s0  }
0x5: {  	s2 =	sand.u32 $0x1, s2;
	s5 =	sshll.u32 s24, $0x1;
	s17 =	sadd.s32 $0x1000, s0  }
0x6: {  	s18 =	sadd.s32 $0x1800, s0;
	s19 =	sadd.s32 $0x89800, s0;
	s26 =	sshll.u32 s24, $0x8  }
0x7: {  	s24 =	simm.s32 $0x80;
	_ =	strace $0x8000004A;
	s7 =	sor.u32 s2, s5  }
0x8: {  	s6 =	ssub.s32 $0x2, s2;
	s2 =	sshll.u32 s2, $0x7;
	s5 =	sshll.u32 s7, $0x1  }
0x9: {  	s22 =	sshrl.u32 s6, $0x1;
	s8 =	smul.u32 $0x1100, s7;
	s16 =	sshll.u32 s7, $0x7  }
0xa: {  	s23 =	sshll.u32 s7, $0x4;
	s7 =	sshll.u32 s7, $0x8;
	s2 =	sor.u32 s26, s2  }
0xb: {  	s26 =	simm.s32 $0x1;
	s0 =	sadd.s32 s5, s0;
	s21 =	ssub.s32 s6, s22  }
0xc: {  	s5 =	sadd.s32 s17, s23;
	s11 =	sor.u32 $0x1000, s16;
	s7 =	sadd.s32 s19, s7  }
0xd: {  	s14 =	sor.u32 $0x2000, s16;
	s25 =	sor.u32 $0x3000, s16;
	s31 =	sxor.u32 $0xFA0, s2  }
0xe: {  	s6 =	sadd.s32 s18, s8;
	s9 =	sshrl.u32 s11, $0x3;
	s10 =	smul.u32 $0x22, s11  }
0xf: {  	s8 =	sadd.s32 $0x91800, s0;
	s11 =	sshll.u32 s11, $0x1;
	s13 =	sshrl.u32 s14, $0x3  }
0x10: {  	s15 =	smul.u32 $0x22, s14;
	s12 =	sadd.s32 $0x91840, s0;
	s20 =	sshll.u32 s14, $0x1  }
0x11: {  	s16 =	sadd.s32 $0x91880, s0;
	s22 =	sshrl.u32 s25, $0x3;
	s23 =	smul.u32 $0x22, s25  }
0x12: {  	s21 =	smax.u32 s21, $0x1;
	s9 =	sadd.s32 s17, s9;
	s11 =	sadd.s32 s19, s11  }
0x13: {  	s13 =	sadd.s32 s17, s13;
	s17 =	sadd.s32 s17, s22;
	s22 =	smin.u32 s31, $0x80  }
0x14: {  	s10 =	sadd.s32 s18, s10;
	s14 =	sadd.s32 s18, s15;
	s15 =	sadd.s32 s19, s20  }
0x15: {  	s18 =	sadd.s32 s18, s23;
	s20 =	sshll.u32 s25, $0x1;
	s23 =	simm.s32 $0x3  }
0x16: {  	s25 =	simm.s32 $0x2;
	s19 =	sadd.s32 s19, s20;
	s20 =	sadd.s32 $0x918C0, s0  }
.LBB2_1:
0x17: {  	[tilespmem:s1], [sflag:$0x3] =	stream.linear.gather [hbm4b:s5+s1], $0x80, $0x38;
	[tilespmem:$0x9090] =	vst v63  }
0x18: {  	_ =	swait.ge [sflag:s23], $0x80  }
0x19: {  	[sflag:s23] =	ssyncset.done $0x0  }
0x1a: {  	[sflag:s23] =	ssyncadd.s32 $0xFFFFFF80  }
0x1b: {  	[tilespmem:s24], [sflag:$0x1] =	stream.indirect.gather [hbm4b:s3+s24], $0x110, s1, s24, $0xb8;
	[tilespmem:$0x9090] =	vst v63  }
0x1c: {  	_ = 	snop  }
0x1d: {  	[tilespmem:s29], [sflag:$0x2] =	stream.indirect.gather [hbm4b:s4+s24], $0x10, s1, s24, $0xb8;
	[tilespmem:$0x9090] =	vst v63  }
0x1e: {  	_ =	swait.ge [sflag:s25], $0x800  }
0x1f: {  	[sflag:s25] =	ssyncset.done $0x0  }
0x20: {  	[sflag:s25] =	ssyncadd.s32 $0xFFFFF800  }
0x21: {  	p0 =	sne.s32 s22, $0x1;
	v1 =	vld [tilespmem:s29+$0x0]  }
.Ltmp0:
0x22: {  	_ = 	snop;
	(pc) =	sbr.rel @!p0 .LBB2_3-.Ltmp0, $2  }
0x23: {  	_ =	sdelay $0x2  }
0x24: {  	v0 =	vimm.s32 $0x0;
	s31 =	sadd.s32 $0xFFFFFFFF, s22;
	s0 =	simm.s32 $0x8890;
	v2 =	vsub.s32 $0x10, v1;
	v1 =	vimm.s32 $0x0  }
.LBB2_2:
0x25: {  	v3 =	vld [tilespmem:s0+$0x0];
	p1 =	sne.s32 s31, $0x1;
	s31 =	sadd.s32 $0xFFFFFFFF, s31;
	vm0 =	vlt.s32 v2, $0x1  }
.Ltmp1:
0x26: {  	v2 =	vnsel vm0, $0x1, v2;
	(pc) =	sbr.rel @p1 .LBB2_2-.Ltmp1, $2  }
0x27: {  	v1 =	vadd.s32 v1, v2;
	_ =	sdelay $0x2  }
0x28: {  	s0 =	sadd.s32 $0x10, s0;
	v2 =	vsub.s32 $0x10, v3  }
.LBB2_3:
0x29: {  	vm0 =	vlt.s32 v2, $0x1  }
0x2a: {  	v2 =	vnsel vm0, $0x1, v2  }
0x2b: {  	v1 =	vadd.s32 v1, v2  }
0x2c: {  	v1 =	vcvt.s32.f32 v1;
	_ =	sdelay $0x1  }
0x2d: {  	[tilespmem:$0x9080] =	vst v1  }
0x2e: {  	_ =	swait.ge [sflag:s26], $0x8800  }
0x2f: {  	[sflag:s26] =	ssyncset.done $0x0  }
0x30: {  	[sflag:s26] =	ssyncadd.s32 $0xFFFF7800  }
0x31: {  	[hbm4b:s6+s1] =	stream.linear.scatter [tilespmem:s24], [sflag:$0x3], $0x8800, $0x38;
	[tilespmem:$0x9090] =	vst v63  }
0x32: {  	_ =	swait.ge [sflag:s23], $0x8800  }
0x33: {  	[sflag:s23] =	ssyncset.done $0x0  }
0x34: {  	s31 =	simm.s32 $0x8880;
	[sflag:s23] =	ssyncadd.s32 $0xFFFF7800  }
0x35: {  	[hbm4b:s7+s1] =	stream.linear.scatter [tilespmem:s31], [sflag:$0x3], $0x800, $0x38;
	[tilespmem:$0x9090] =	vst v63  }
0x36: {  	_ =	swait.ge [sflag:s23], $0x800  }
0x37: {  	[sflag:s23] =	ssyncset.done $0x0  }
0x38: {  	[sflag:s23] =	ssyncadd.s32 $0xFFFFF800  }
0x39: {  	[hbm4b:s8+s1] =	stream.linear.scatter [tilespmem:s28], [sflag:$0x3], $0x10, $0x38;
	[tilespmem:$0x9090] =	vst v63  }
0x3a: {  	_ =	swait.ge [sflag:s23], $0x10  }
0x3b: {  	[sflag:s23] =	ssyncset.done $0x0  }
0x3c: {  	[sflag:s23] =	ssyncadd.s32 $0xFFFFFFF0  }
0x3d: {  	[tilespmem:s1], [sflag:$0x3] =	stream.linear.gather [hbm4b:s9+s1], $0x80, $0x38;
	[tilespmem:$0x9090] =	vst v63  }
0x3e: {  	_ =	swait.ge [sflag:s23], $0x80  }
0x3f: {  	[sflag:s23] =	ssyncset.done $0x0  }
0x40: {  	[sflag:s23] =	ssyncadd.s32 $0xFFFFFF80  }
0x41: {  	[tilespmem:s24], [sflag:$0x1] =	stream.indirect.gather [hbm4b:s3+s24], $0x110, s1, s24, $0xb8;
	[tilespmem:$0x9090] =	vst v63  }
0x42: {  	_ = 	snop  }
0x43: {  	[tilespmem:s31], [sflag:$0x2] =	stream.indirect.gather [hbm4b:s4+s24], $0x10, s1, s24, $0xb8;
	[tilespmem:$0x9090] =	vst v63  }
0x44: {  	_ =	swait.ge [sflag:s25], $0x800  }
0x45: {  	[sflag:s25] =	ssyncset.done $0x0  }
0x46: {  	[sflag:s25] =	ssyncadd.s32 $0xFFFFF800  }
0x47: {  	v1 =	vld [tilespmem:s31+$0x0]  }
.Ltmp2:
0x48: {  	_ = 	snop;
	(pc) =	sbr.rel @!p0 .LBB2_5-.Ltmp2, $2  }
0x49: {  	_ =	sdelay $0x2  }
0x4a: {  	s0 =	sadd.s32 $0xFFFFFFFF, s22;
	s2 =	simm.s32 $0x8890;
	v1 =	vsub.s32 $0x10, v1  }
.LBB2_4:
0x4b: {  	v2 =	vld [tilespmem:s2+$0x0];
	p1 =	sne.s32 s0, $0x1;
	s0 =	sadd.s32 $0xFFFFFFFF, s0;
	vm0 =	vlt.s32 v1, $0x1  }
.Ltmp3:
0x4c: {  	v1 =	vnsel vm0, $0x1, v1;
	(pc) =	sbr.rel @p1 .LBB2_4-.Ltmp3, $2  }
0x4d: {  	v0 =	vadd.s32 v0, v1;
	_ =	sdelay $0x2  }
0x4e: {  	s2 =	sadd.s32 $0x10, s2;
	v1 =	vsub.s32 $0x10, v2  }
.LBB2_5:
0x4f: {  	vm0 =	vlt.s32 v1, $0x1  }
0x50: {  	v1 =	vnsel vm0, $0x1, v1  }
0x51: {  	v0 =	vadd.s32 v0, v1  }
0x52: {  	v0 =	vcvt.s32.f32 v0;
	_ =	sdelay $0x1  }
0x53: {  	[tilespmem:$0x9080] =	vst v0  }
0x54: {  	_ =	swait.ge [sflag:s26], $0x8800  }
0x55: {  	[sflag:s26] =	ssyncset.done $0x0  }
0x56: {  	[sflag:s26] =	ssyncadd.s32 $0xFFFF7800  }
0x57: {  	[hbm4b:s10+s1] =	stream.linear.scatter [tilespmem:s24], [sflag:$0x3], $0x8800, $0x38;
	[tilespmem:$0x9090] =	vst v63  }
0x58: {  	_ =	swait.ge [sflag:s23], $0x8800  }
0x59: {  	[sflag:s23] =	ssyncset.done $0x0  }
0x5a: {  	[sflag:s23] =	ssyncadd.s32 $0xFFFF7800  }
0x5b: {  	[hbm4b:s11+s1] =	stream.linear.scatter [tilespmem:s31], [sflag:$0x3], $0x800, $0x38;
	[tilespmem:$0x9090] =	vst v63  }
0x5c: {  	_ =	swait.ge [sflag:s23], $0x800  }
0x5d: {  	[sflag:s23] =	ssyncset.done $0x0  }
0x5e: {  	[sflag:s23] =	ssyncadd.s32 $0xFFFFF800  }
0x5f: {  	[hbm4b:s12+s1] =	stream.linear.scatter [tilespmem:s28], [sflag:$0x3], $0x10, $0x38;
	[tilespmem:$0x9090] =	vst v63  }
0x60: {  	_ =	swait.ge [sflag:s23], $0x10  }
0x61: {  	[sflag:s23] =	ssyncset.done $0x0  }
0x62: {  	[sflag:s23] =	ssyncadd.s32 $0xFFFFFFF0  }
0x63: {  	[tilespmem:s1], [sflag:$0x3] =	stream.linear.gather [hbm4b:s13+s1], $0x80, $0x38;
	[tilespmem:$0x9090] =	vst v63  }
0x64: {  	_ =	swait.ge [sflag:s23], $0x80  }
0x65: {  	[sflag:s23] =	ssyncset.done $0x0  }
0x66: {  	[sflag:s23] =	ssyncadd.s32 $0xFFFFFF80  }
0x67: {  	[tilespmem:s24], [sflag:$0x1] =	stream.indirect.gather [hbm4b:s3+s24], $0x110, s1, s24, $0xb8;
	[tilespmem:$0x9090] =	vst v63  }
0x68: {  	_ = 	snop  }
0x69: {  	[tilespmem:s31], [sflag:$0x2] =	stream.indirect.gather [hbm4b:s4+s24], $0x10, s1, s24, $0xb8;
	[tilespmem:$0x9090] =	vst v63  }
0x6a: {  	_ =	swait.ge [sflag:s25], $0x800  }
0x6b: {  	[sflag:s25] =	ssyncset.done $0x0  }
0x6c: {  	[sflag:s25] =	ssyncadd.s32 $0xFFFFF800  }
0x6d: {  	v1 =	vld [tilespmem:s31+$0x0]  }
.Ltmp4:
0x6e: {  	_ = 	snop;
	(pc) =	sbr.rel @!p0 .LBB2_7-.Ltmp4, $2  }
0x6f: {  	_ =	sdelay $0x2  }
0x70: {  	s0 =	simm.s32 $0x8890;
	v0 =	vimm.s32 $0x0;
	s31 =	sadd.s32 $0xFFFFFFFF, s22;
	v2 =	vsub.s32 $0x10, v1;
	v1 =	vimm.s32 $0x0  }
.LBB2_6:
0x71: {  	v3 =	vld [tilespmem:s0+$0x0];
	p1 =	sne.s32 s31, $0x1;
	s31 =	sadd.s32 $0xFFFFFFFF, s31;
	vm0 =	vlt.s32 v2, $0x1  }
.Ltmp5:
0x72: {  	v2 =	vnsel vm0, $0x1, v2;
	(pc) =	sbr.rel @p1 .LBB2_6-.Ltmp5, $2  }
0x73: {  	v1 =	vadd.s32 v1, v2;
	_ =	sdelay $0x2  }
0x74: {  	s0 =	sadd.s32 $0x10, s0;
	v2 =	vsub.s32 $0x10, v3  }
.LBB2_7:
0x75: {  	vm0 =	vlt.s32 v2, $0x1  }
0x76: {  	v2 =	vnsel vm0, $0x1, v2  }
0x77: {  	v1 =	vadd.s32 v1, v2  }
0x78: {  	v1 =	vcvt.s32.f32 v1;
	_ =	sdelay $0x1  }
0x79: {  	[tilespmem:$0x9080] =	vst v1  }
0x7a: {  	_ =	swait.ge [sflag:s26], $0x8800  }
0x7b: {  	[sflag:s26] =	ssyncset.done $0x0  }
0x7c: {  	[sflag:s26] =	ssyncadd.s32 $0xFFFF7800  }
0x7d: {  	[hbm4b:s14+s1] =	stream.linear.scatter [tilespmem:s24], [sflag:$0x3], $0x8800, $0x38;
	[tilespmem:$0x9090] =	vst v63  }
0x7e: {  	_ =	swait.ge [sflag:s23], $0x8800  }
0x7f: {  	[sflag:s23] =	ssyncset.done $0x0  }
0x80: {  	s0 =	simm.s32 $0x8880;
	[sflag:s23] =	ssyncadd.s32 $0xFFFF7800  }
0x81: {  	[hbm4b:s15+s1] =	stream.linear.scatter [tilespmem:s0], [sflag:$0x3], $0x800, $0x38;
	[tilespmem:$0x9090] =	vst v63  }
0x82: {  	_ =	swait.ge [sflag:s23], $0x800  }
0x83: {  	[sflag:s23] =	ssyncset.done $0x0  }
0x84: {  	[sflag:s23] =	ssyncadd.s32 $0xFFFFF800  }
0x85: {  	[hbm4b:s16+s1] =	stream.linear.scatter [tilespmem:s28], [sflag:$0x3], $0x10, $0x38;
	[tilespmem:$0x9090] =	vst v63  }
0x86: {  	_ =	swait.ge [sflag:s23], $0x10  }
0x87: {  	[sflag:s23] =	ssyncset.done $0x0  }
0x88: {  	[sflag:s23] =	ssyncadd.s32 $0xFFFFFFF0  }
0x89: {  	[tilespmem:s1], [sflag:$0x3] =	stream.linear.gather [hbm4b:s17+s1], $0x80, $0x38;
	[tilespmem:$0x9090] =	vst v63  }
0x8a: {  	_ =	swait.ge [sflag:s23], $0x80  }
0x8b: {  	[sflag:s23] =	ssyncset.done $0x0  }
0x8c: {  	[sflag:s23] =	ssyncadd.s32 $0xFFFFFF80  }
0x8d: {  	[tilespmem:s24], [sflag:$0x1] =	stream.indirect.gather [hbm4b:s3+s24], $0x110, s1, s24, $0xb8;
	[tilespmem:$0x9090] =	vst v63  }
0x8e: {  	_ = 	snop  }
0x8f: {  	[tilespmem:s0], [sflag:$0x2] =	stream.indirect.gather [hbm4b:s4+s24], $0x10, s1, s24, $0xb8;
	[tilespmem:$0x9090] =	vst v63  }
0x90: {  	_ =	swait.ge [sflag:s25], $0x800  }
0x91: {  	[sflag:s25] =	ssyncset.done $0x0  }
0x92: {  	[sflag:s25] =	ssyncadd.s32 $0xFFFFF800  }
0x93: {  	v1 =	vld [tilespmem:s0+$0x0]  }
.Ltmp6:
0x94: {  	_ = 	snop;
	(pc) =	sbr.rel @!p0 .LBB2_9-.Ltmp6, $2  }
0x95: {  	_ =	sdelay $0x2  }
0x96: {  	s2 =	simm.s32 $0x8890;
	s0 =	sadd.s32 $0xFFFFFFFF, s22;
	v1 =	vsub.s32 $0x10, v1  }
.LBB2_8:
0x97: {  	v2 =	vld [tilespmem:s2+$0x0];
	p0 =	sne.s32 s0, $0x1;
	s0 =	sadd.s32 $0xFFFFFFFF, s0;
	vm0 =	vlt.s32 v1, $0x1  }
.Ltmp7:
0x98: {  	v1 =	vnsel vm0, $0x1, v1;
	(pc) =	sbr.rel @p0 .LBB2_8-.Ltmp7, $2  }
0x99: {  	v0 =	vadd.s32 v0, v1;
	_ =	sdelay $0x2  }
0x9a: {  	s2 =	sadd.s32 $0x10, s2;
	v1 =	vsub.s32 $0x10, v2  }
.LBB2_9:
0x9b: {  	vm0 =	vlt.s32 v1, $0x1  }
0x9c: {  	v1 =	vnsel vm0, $0x1, v1  }
0x9d: {  	v0 =	vadd.s32 v0, v1  }
0x9e: {  	v0 =	vcvt.s32.f32 v0;
	_ =	sdelay $0x1  }
0x9f: {  	[tilespmem:$0x9080] =	vst v0  }
0xa0: {  	_ =	swait.ge [sflag:s26], $0x8800  }
0xa1: {  	[sflag:s26] =	ssyncset.done $0x0  }
0xa2: {  	[sflag:s26] =	ssyncadd.s32 $0xFFFF7800  }
0xa3: {  	[hbm4b:s18+s1] =	stream.linear.scatter [tilespmem:s24], [sflag:$0x3], $0x8800, $0x38;
	[tilespmem:$0x9090] =	vst v63  }
0xa4: {  	_ =	swait.ge [sflag:s23], $0x8800  }
0xa5: {  	[sflag:s23] =	ssyncset.done $0x0  }
0xa6: {  	[sflag:s23] =	ssyncadd.s32 $0xFFFF7800  }
0xa7: {  	[hbm4b:s19+s1] =	stream.linear.scatter [tilespmem:s29], [sflag:$0x3], $0x800, $0x38;
	[tilespmem:$0x9090] =	vst v63  }
0xa8: {  	s30 =	sadd.s32 $0x1, s30;
	_ =	swait.ge [sflag:s23], $0x800  }
0xa9: {  	p0 =	sne.s32 s30, s21;
	[sflag:s23] =	ssyncset.done $0x0  }
.Ltmp8:
0xaa: {  	[sflag:s23] =	ssyncadd.s32 $0xFFFFF800;
	(pc) =	sbr.rel @p0 .LBB2_1-.Ltmp8, $4  }
0xab: {  	[hbm4b:s20+s1] =	stream.linear.scatter [tilespmem:s28], [sflag:$0x3], $0x10, $0x38;
	[tilespmem:$0x9090] =	vst v63  }
0xac: {  	_ =	swait.ge [sflag:s23], $0x10  }
0xad: {  	[sflag:s23] =	ssyncset.done $0x0  }
0xae: {  	[sflag:s23] =	ssyncadd.s32 $0xFFFFFFF0  }
0xaf: {  	_ =	sfence.sel $0x180000  }
0xb0: {  	[bflag:$0x0] =	sbarrier.arrive $0xFFFF  }
0xb1: {  	_ =	strace $0x9000004A  }
0xb2: {  	s0 =	stileid.u32;
	[bflag:$0x2] =	sbarrier.arrive $0xFFFF  }
0xb3: {  	p0 =	sne.s32 s0, $0x0;
	s0 =	rddreg [dreg:$0x1]  }
0xb4: {  	s0 =	sadd.s32 @!p0 $0x100000, s0  }
0xb5: {  	[sflag:s0] =	ssyncadd.tile.s32 @!p0 $0x1;
	_ =	shalt  }
.Lfunc_end2:
_tile_overlayer_lowered:
.L_overlay_start_2:
0xb6: {  	(tag) =	ssettag $0x2  }
0xb7: {  	s0 =	rddreg [dreg:$0x0];
	s2 =	stileid.u32  }
0xb8: {  	s1 =	rddreg [dreg:$0x1];
	p0 =	sne.s32 s2, $0x0  }
0xb9: {  	s3 =	rddreg [dreg:$0x2];
	[bflag:$0x3] =	sbarrier.arrive $0xFFFF;
	s2 =	simm.s32 @!p0 $0x1C03  }
0xba: {  	[timem:s3], [sflag:s2] =	dma.local @!p0 [hbm:s0], s1  }
0xbb: {  	s0 =	simm.s32 @!p0 $0x3  }
0xbc: {  	_ =	swait.ge @!p0 [sflag:s0], s1  }
0xbd: {  	s1 =	ssub.s32 @!p0 $0x0, s1;
	[sflag:s0] =	ssyncset.done @!p0 $0x0  }
0xbe: {  	[sflag:s0] =	ssyncadd.s32 @!p0 s1  }
0xbf: {  	[bflag:$0x3] =	sbarrier.arrive $0xFFFF  }
0xc0: {  	_ =	shalt  }

// kernel: sparse-core-data-format-call.cloned.1.call-start
scs
called_computation_lowered:
.L_overlay_start_0:
0x0: {  	s1 =	sld [smem:$0x3FD9]  }
0x1: {  	s2 =	sld [smem:$0x3FFE];
	_ =	sdelay $0x1  }
0x2: {  	s3 =	srdreg.scid  }
0x3: {  	s0 =	sand.u32 $0x1, s3  }
0x4: {  	s17 =	sshll.u32 s0, $0xA;
	s1 =	sadd.s32 s2, s1  }
0x5: {  	s1 =	sadd.s32 s1, s17  }
0x6: {  	[smem:$0x3FC6] =	sst s1  }
0x7: {  	_ = 	snop  }
0x8: {  	(tm) =	ssettm $0x1  }
0x9: {  	s18 =	sld [smem:$0x3FFB];
	_ =	sdelay $0x3  }
0xa: {  	_ =	strace s18  }
0xb: {  	s1 =	sld [smem:$0x3FFC];
	_ =	sdelay $0x3  }
0xc: {  	_ =	strace s1  }
0xd: {  	s1 =	sld [smem:$0x3FFD];
	_ =	sdelay $0x3  }
0xe: {  	_ =	strace s1  }
0xf: {  	_ =	strace $0x8FFFFFFF  }
0x10: {  	s19 =	sld [smem:$0x3FDB];
	_ =	sdelay $0x1  }
0x11: {  	s20 =	simm.s32 $_scs_section_size  }
0x12: {  	s4 =	simm.s32 $_size__tile_overlayer_lowered;
	s5 =	simm.s32 $_tile_overlayer_lowered  }
0x13: {  	s23 =	simm.s32 $0x1BFF;
	s22 =	sshll.u32 s5, $0x1;
	s1 =	sadd.s32 s20, s19  }
0x14: {  	s6 =	simm.s32 $0x0;
	s21 =	sshll.u32 s4, $0x1;
	s4 =	sadd.s32 s22, s1  }
0x15: {  	[timem:s6], [sflag:s23] =	dma.local [hbm:s4], s21  }
0x16: {  	_ =	swait.ge [sflag:s23], s21  }
0x17: {  	s2 =	ssub.s32 $0x0, s21;
	[sflag:s23] =	ssyncset.done $0x0  }
0x18: {  	[sflag:s23] =	ssyncadd.s32 s2;
	_ =	sdelay $0x1  }
0x19: {  	s24 =	simm.s32 $0x1B8B  }
0x1a: {  	_ =	swait.ge [sflag:s24], $0x1  }
0x1b: {  	[sflag:s24] =	ssyncset.done $0x0  }
0x1c: {  	s26 =	simm.s32 $0x1B8E;
	s25 =	sld [smem:$0x3FFE];
	[sflag:s24] =	ssyncadd.s32 $0xFFFFFFFF  }
0x1d: {  	s27 =	simm.s32 $execute0_lowered;
	[smem:$0x3FD2] =	sst s26  }
0x1e: {  	s4 =	sshll.u32 s27, $0x1;
	_ =	strace $0x80000046;
	[dreg:$0x1] =	wrdreg $0xFFFFFFFF  }
0x1f: {  	s28 =	simm.s32 $_size_execute0_lowered;
	s1 =	sadd.s32 s1, s4;
	[dreg:$0x0] =	wrdreg $0x0  }
0x20: {  	s4 =	sshll.u32 s28, $0x1;
	[dreg:$0x2] =	wrdreg s1  }
0x21: {  	[dreg:$0x3] =	wrdreg s4  }
0x22: {  	[dreg:$0x4] =	wrdreg $0xC0  }
0x23: {  	_ =	task [dreg:s6], $0x5FFFF  }
0x24: {  	[dreg:$0x1] =	wrdreg $0xFFFFFFFF  }
0x25: {  	[dreg:$0x0] =	wrdreg $0x60  }
0x26: {  	[dreg:$0x2] =	wrdreg s25  }
0x27: {  	[dreg:$0x3] =	wrdreg $0x9  }
0x28: {  	_ =	task.clear_ibuf [dreg:s6], $0x4FFFF;
	_ =	strace $0x90000046  }
0x29: {  	s29 =	simm.s32 $0x9;
	_ =	strace $0x80000048  }
0x2a: {  	_ =	swait.ge [sflag:s29], $0x1  }
0x2b: {  	[sflag:s29] =	ssyncadd.s32 $0xFFFFFFFF  }
0x2c: {  	_ =	strace $0x90000048  }
0x2d: {  	_ =	sfence  }
0x2e: {  	s30 =	sld [smem:$0x0];
	_ =	sdelay $0x2  }
0x2f: {  	s31 =	sshll.u32 s3, $0xD;
	s3 =	sshrl.u32 s3, $0x2  }
0x30: {  	s2 =	sand.u32 $0x4000, s31;
	s1 =	sadd.s32 s3, s30  }
0x31: {  	s0 =	sor.u32 s2, s0;
	s1 =	sshll.u32 s1, $0x11  }
0x32: {  	s0 =	sor.u32 s1, s0  }
0x33: {  	s0 =	sadd.s32 $0x8F2B, s0  }
0x34: {  	[sflag:s0] =	ssyncadd.remote.s32 $0x1  }
0x35: {  	_ =	sfence.sel $0xFFFF  }
0x36: {  	[dreg:$0x0] =	wrdreg $0xFFFFFFFF;
	(pc) =	sbr.abs _section_cstart, $3  }
0x37: {  	[dreg:$0x1] =	wrdreg $0xFFFFFFFF  }
0x38: {  	_ =	task.clear_ibuf [dreg:s6], $0x2FFFF;
	_ =	strace $0x9FFFFFFF  }
0x39: {  	(tm) =	ssettm $0x7FFFFFFF  }
tec
execute0_lowered:
.L_overlay_start_1:
0x0: {  	(tag) =	ssettag $0x1  }
0x1: {  	s0 =	srdreg.scid  }
0x2: {  	s1 =	sshll.u32 s0, $0x4  }
0x3: {  	s0 =	stileid.u32;
	s1 =	sand.u32 $0x10, s1  }
0x4: {  	s1 =	sor.u32 s0, s1  }
0x5: {  	s6 =	rddreg [dreg:$0x0];
	s7 =	simm.s32 $0x2;
	s2 =	sshll.u32 s1, $0x7  }
0x6: {  	s13 =	simm.s32 $0x0;
	s8 =	simm.s32 $0xC00;
	s1 =	ssub.s32 $0x27100, s2  }
0x7: {  	s12 =	simm.s32 $0x0;
	s10 =	simm.s32 $0x0;
	s3 =	sand.u32 $0xF80, s1  }
0x8: {  	s11 =	simm.s32 $0x0;
	p0 =	sne.s32 s3, $0x0;
	s3 =	simm.s32 $0x1  }
.Ltmp0:
0x9: {  	s4 =	sshrl.u32 s1, $0xC;
	s3 =	simm.s32 @!p0 $0x0;
	(pc) =	sbr.rel .LBB1_1-.Ltmp0, $4  }
0xa: {  	s5 =	sadd.s32 $0x6A5000, s6;
	s1 =	rddreg [dreg:$0x1];
	s4 =	sadd.s32 s3, s4  }
0xb: {  	_ =	strace $0x80000047;
	s3 =	simm.s32 $0x1;
	s4 =	smul.u32 $0x3, s4  }
0xc: {  	s6 =	sadd.s32 $0xBD5200, s6;
	s9 =	smov.u32 s2;
	[sflag:s3] =	ssyncpa.u1 $0x0  }
0xd: {  	p0 =	por $0x0, $0x0;
	[sflag:s7] =	ssyncpa.u1 $0x0;
	s7 =	sadd.s32 $0x1, s4  }
.LBB1_4:
0xe: {  	s19 =	sshrl.u32 s13, $0x3  }
0xf: {  	s20 =	sshll.u32 s12, $0x3;
	s19 =	smul.u32 $0xC00, s19  }
0x10: {  	s24 =	sshll.u32 s13, $0x7;
	s20 =	sand.u32 $0xFFFFFC00, s20  }
0x11: {  	s13 =	sand.u32 $0x380, s24;
	s19 =	sadd.s32 s20, s19  }
0x12: {  	s13 =	sor.u32 s13, s19  }
0x13: {  	v5 =	vld [tilespmem:s16+$0xFFFFFFD0];
	[tilespmem:s17+$0x2040 ss:$0x81] =	vst.msk $0xffff, v4;
	s25 =	sand.u32 $0x7F, s12;
	s19 =	smulhi.u32 $0xAAAAAAAB, s13  }
0x14: {  	v58 =	vld [tilespmem:s16+$0xFFFFFFE0];
	[tilespmem:s17+$0x2850 ss:$0x81] =	vst.msk $0xffff, v3;
	s12 =	sor.u32 s25, s13  }
0x15: {  	s26 =	sshra.s32 s18, $0x2;
	v59 =	vld [tilespmem:s16+$0xFFFFFFF0];
	[tilespmem:s17+$0x3060 ss:$0x81] =	vst.msk $0xffff, v2;
	s27 =	smulhi.u32 $0xAAAAAAAB, s12;
	s19 =	sshrl.u32 s19, $0x8  }
0x16: {  	v60 =	vld [tilespmem:s16+$0x0];
	[tilespmem:s17+$0x0 ss:$0x81] =	vst.msk $0xffff, v0;
	s13 =	sadd.s32 s26, s15;
	s28 =	smulhi.u32 $0x1A36E3, s19  }
0x17: {  	v61 =	vld [tilespmem:s16+$0x10];
	[tilespmem:s13+$0x3870 ss:$0x81] =	vst.msk $0xffff, v1;
	s29 =	sshrl.u32 s27, $0x8  }
0x18: {  	v62 =	vld [tilespmem:s16+$0x20];
	[tilespmem:s13+$0x810 ss:$0x81] =	vst.msk $0xffff, v5;
	s17 =	smul.u32 $0x180, s29;
	s15 =	sshrl.u32 s28, $0x6  }
0x19: {  	v63 =	vld [tilespmem:s16+$0xFFFFFFC0];
	[tilespmem:s13+$0x1020 ss:$0x81] =	vst.msk $0xffff, v58;
	s15 =	smul.u32 $0x27100, s15  }
0x1a: {  	[tilespmem:s13+$0x1830 ss:$0x81] =	vst.msk $0xffff, v59  }
0x1b: {  	[tilespmem:s13+$0x2040 ss:$0x81] =	vst.msk $0xffff, v60;
	s12 =	ssub.s32 s12, s17;
	s15 =	ssub.s32 s19, s15  }
0x1c: {  	[tilespmem:s13+$0x2850 ss:$0x81] =	vst.msk $0xffff, v61;
	s30 =	sshrl.u32 s12, $0x3;
	s12 =	sand.u32 $0x7, s12;
	s15 =	smul.u32 $0x30, s15  }
0x1d: {  	[tilespmem:s13+$0x3060 ss:$0x81] =	vst.msk $0xffff, v62;
	s16 =	sadd.s32 s6, s30;
	s12 =	sshll.u32 s12, $0x12  }
0x1e: {  	[tilespmem:s13+$0x0 ss:$0x81] =	vst.msk $0xffff, v63;
	s12 =	sor.u32 $0x400, s12;
	s31 =	sadd.s32 s15, s16  }
0x1f: {  	[hbm4b:s31+s12] =	stream.strided.scatter [tilespmem:s14], [sflag:$0x2], $0x4000, s8, s12, $0x20;
	[tilespmem:$0x10100] =	vst v63  }
.LBB1_5:
0x20: {  	s14 =	sadd.s32 $0x1000, s9  }
0x21: {  	s12 =	sadd.s32 $0x80, s10;
	s16 =	smov.u32 s10;
	p2 =	sgt.s32 s14, $0x270FF  }
0x22: {  	s16 =	smov.u32 @p2 s12  }
0x23: {  	s14 =	smov.u32 @p2 s2;
	p2 =	sgt.s32 s16, $0x10F  }
0x24: {  	s16 =	simm.s32 @p2 $0x0;
	p2 =	sne.s32 s11, s7  }
.Ltmp1:
0x25: {  	p1 =	slt.u32 s11, $0x2;
	(pc) =	sbr.rel @!p2 .LBB1_6-.Ltmp1, $4  }
0x26: {  	s15 =	simm.s32 @!p1 $0x2  }
0x27: {  	s13 =	smov.u32 s9;
	p0 =	por !p0, !p0;
	_ =	swait.ge @!p1 [sflag:s15], $0x4000  }
0x28: {  	s12 =	smov.u32 s10;
	[sflag:s15] =	ssyncset.done @!p1 $0x0;
	s9 =	smov.u32 s14  }
0x29: {  	s11 =	sadd.s32 $0x1, s11;
	[sflag:s15] =	ssyncadd.s32 @!p1 $0xFFFFC000;
	s10 =	smov.u32 s16  }
.LBB1_1:
0x2a: {  	p1 =	sge.u32 s11, s4  }
0x2b: {  	s14 =	sshrl.u32 @!p1 s10, $0x3  }
0x2c: {  	s15 =	sshll.u32 @!p1 s9, $0x3;
	s14 =	smul.u32 @!p1 $0x138800, s14  }
0x2d: {  	s16 =	sshll.u32 @!p1 s10, $0x7;
	s15 =	sand.u32 @!p1 $0xFFFFFC00, s15  }
0x2e: {  	s19 =	smov.u32 s9;
	s14 =	sadd.s32 @!p1 s14, s15;
	s15 =	sand.u32 @!p1 $0x380, s16  }
0x2f: {  	s31 =	sadd.s32 $0xFFFFFFFF, s11;
	s17 =	sand.u32 @!p1 $0x7F, s9;
	s14 =	sor.u32 @!p1 s15, s14  }
0x30: {  	p2 =	sgt.s32 @!p1 s10, $0x90;
	s18 =	sshra.s32 @!p1 s10, $0x1F;
	s15 =	smulhi.u32 @!p1 $0xD1B71759, s14  }
0x31: {  	s20 =	sshra.s32 @!p1 s9, $0x1F;
	p2 =	por !p2, p1;
	s18 =	sand.u32 @!p1 s18, s10  }
0x32: {  	s14 =	sor.u32 @!p1 s17, s14;
	s17 =	smov.u32 s10;
	s15 =	sshrl.u32 @!p1 s15, $0x11  }
0x33: {  	s17 =	simm.s32 @p2 $0x90;
	p2 =	sgt.s32 @!p1 s9, $0x27080;
	s16 =	smul.u32 @!p1 $0x7879, s15  }
0x34: {  	p2 =	por !p2, p1;
	s17 =	ssub.s32 @!p1 s17, s18;
	s18 =	sand.u32 @!p1 s20, s9  }
0x35: {  	s20 =	smulhi.u32 @!p1 $0xD1B71759, s14;
	s19 =	simm.s32 @p2 $0x27080;
	s16 =	sshrl.u32 @!p1 s16, $0x17  }
0x36: {  	s18 =	ssub.s32 @!p1 s19, s18;
	s19 =	sadd.s32 @!p1 $0xFFFFFF70, s17;
	s16 =	smul.u32 @!p1 $0x110, s16  }
0x37: {  	s17 =	ssub.s32 @!p1 $0x110, s17;
	p2 =	sgt.s32 @!p1 s19, $0x7F;
	s19 =	sshrl.u32 @!p1 s20, $0x11  }
0x38: {  	p2 =	por !p2, p1;
	s15 =	ssub.s32 @!p1 s15, s16;
	s16 =	sadd.s32 @!p1 $0xFFFD8F80, s18  }
0x39: {  	s19 =	smul.u32 @!p1 $0x27100, s19;
	s17 =	simm.s32 @!p2 $0x0;
	p3 =	sgt.s32 @!p1 s16, $0x7F  }
0x3a: {  	s18 =	ssub.s32 @!p1 $0x27100, s18;
	s15 =	sand.u32 @!p1 $0xFFFF, s15;
	p3 =	por !p3, p1  }
0x3b: {  	s16 =	sxor.u32 @!p1 $0xFFFFFFFF, s11;
	s15 =	smul.u32 @!p1 $0x4E20, s15;
	s18 =	simm.s32 @!p3 $0x0  }
0x3c: {  	s14 =	ssub.s32 @!p1 s14, s19;
	s16 =	sshll.u32 @!p1 s16, $0xE;
	s17 =	smul.u32 @!p1 s17, s18  }
0x3d: {  	s16 =	sand.u32 @!p1 $0x4000, s16;
	s18 =	sshrl.u32 @!p1 s14, $0x3;
	s14 =	sand.u32 @!p1 $0x7, s14  }
0x3e: {  	s18 =	sadd.s32 @!p1 s5, s18;
	s14 =	sshll.u32 @!p1 s14, $0x12;
	s17 =	sand.u32 @!p1 $0x3FFFFFFF, s17  }
0x3f: {  	s15 =	sadd.s32 @!p1 s15, s18;
	s14 =	sor.u32 @!p1 $0x400, s14;
	s18 =	simm.s32 @!p1 $0x138800  }
0x40: {  	[tilespmem:s16], [sflag:$0x1] =	stream.strided.gather @!p1 [hbm4b:s15+s14], s17, s18, s14, $0x38;
	[tilespmem:$0x10100] =	vst v63  }
0x41: {  	p1 =	sge.u32 s31, s4  }
.Ltmp2:
0x42: {  	_ = 	snop;
	(pc) =	sbr.rel @p1 .LBB1_5-.Ltmp2, $1  }
0x43: {  	_ =	sdelay $0x3  }
0x44: {  	p1 =	sgt.s32 s12, $0x90  }
0x45: {  	s14 =	smov.u32 s12;
	s15 =	sshra.s32 s12, $0x1F;
	s16 =	smov.u32 s13  }
0x46: {  	s17 =	sshra.s32 s13, $0x1F;
	s14 =	simm.s32 @!p1 $0x90;
	p1 =	sgt.s32 s13, $0x27080  }
0x47: {  	s15 =	sand.u32 s15, s12;
	s27 =	sand.u32 s17, s13;
	s16 =	simm.s32 @!p1 $0x27080  }
0x48: {  	s14 =	ssub.s32 s14, s15;
	s15 =	ssub.s32 s16, s27  }
0x49: {  	s28 =	sadd.s32 $0xFFFFFF70, s14;
	s14 =	ssub.s32 $0x110, s14;
	s16 =	sadd.s32 $0xFFFD8F80, s15  }
0x4a: {  	p1 =	sgt.s32 s28, $0x7F;
	s15 =	ssub.s32 $0x27100, s15;
	p2 =	sgt.s32 s16, $0x7F  }
0x4b: {  	s14 =	simm.s32 @p1 $0x0;
	s15 =	simm.s32 @p2 $0x0  }
0x4c: {  	s14 =	smul.u32 s14, s15;
	_ =	sdelay $0x1  }
0x4d: {  	s15 =	simm.s32 $0x1;
	s14 =	sand.u32 $0x3FFFFFFF, s14  }
0x4e: {  	s15 =	simm.s32 @!p0 $0x0;
	_ =	swait.ge [sflag:s3], s14  }
0x4f: {  	s29 =	sshll.u32 s15, $0xE;
	s14 =	ssub.s32 $0x0, s14;
	[sflag:s3] =	ssyncset.done $0x0  }
0x50: {  	s16 =	sor.u32 $0x40, s29;
	[sflag:s3] =	ssyncadd.s32 s14  }
0x51: {  	s30 =	smul.u32 $0x10200, s15;
	v0 =	vld [tilespmem:s16+$0x30]  }
0x52: {  	v1 =	vld [tilespmem:s16+$0xFFFFFFD0]  }
0x53: {  	s14 =	sshrl.u32 s30, $0x2;
	v5 =	vld [tilespmem:s16+$0xFFFFFFE0]  }
0x54: {  	s15 =	sor.u32 $0x8000, s14;
	v6 =	vld [tilespmem:s16+$0xFFFFFFF0]  }
0x55: {  	s31 =	sand.u32 $0x1, s11;
	v4 =	vld [tilespmem:s16+$0x0];
	s17 =	sadd.s32 $0x0, s15  }
0x56: {  	s14 =	smul.u32 $0x10200, s31;
	v3 =	vld [tilespmem:s16+$0x10];
	[tilespmem:s17+$0x3870 ss:$0x81] =	vst.msk $0xffff, v0  }
0x57: {  	v2 =	vld [tilespmem:s16+$0x20];
	[tilespmem:s17+$0x810 ss:$0x81] =	vst.msk $0xffff, v1  }
0x58: {  	s14 =	sshrl.u32 s14, $0x2;
	v0 =	vld [tilespmem:s16+$0xFFFFFFC0];
	[tilespmem:s17+$0x1020 ss:$0x81] =	vst.msk $0xffff, v5;
	s16 =	sadd.s32 $0x80, s16  }
0x59: {  	s18 =	simm.s32 $0x4;
	s19 =	simm.s32 $0x8;
	s14 =	sor.u32 $0x8000, s14;
	[tilespmem:s17+$0x1830 ss:$0x81] =	vst.msk $0xffff, v6;
	v1 =	vld [tilespmem:s16+$0x30]  }
.LBB1_3:
0x5a: {  	p1 =	sne.s32 s19, $0x1FC;
	v5 =	vld [tilespmem:s16+$0xFFFFFFD0];
	[tilespmem:s17+$0x2040 ss:$0x81] =	vst.msk $0xffff, v4  }
0x5b: {  	v6 =	vld [tilespmem:s16+$0xFFFFFFE0];
	[tilespmem:s17+$0x2850 ss:$0x81] =	vst.msk $0xffff, v3  }
0x5c: {  	s20 =	sshra.s32 s18, $0x2;
	s18 =	smov.u32 s19;
	v7 =	vld [tilespmem:s16+$0xFFFFFFF0];
	[tilespmem:s17+$0x3060 ss:$0x81] =	vst.msk $0xffff, v2  }
.Ltmp3:
0x5d: {  	v4 =	vld [tilespmem:s16+$0x0];
	[tilespmem:s17+$0x0 ss:$0x81] =	vst.msk $0xffff, v0;
	s17 =	sadd.s32 s20, s15;
	(pc) =	sbr.rel @p1 .LBB1_3-.Ltmp3, $4  }
0x5e: {  	v3 =	vld [tilespmem:s16+$0x10];
	[tilespmem:s17+$0x3870 ss:$0x81] =	vst.msk $0xffff, v1  }
0x5f: {  	[tilespmem:s17+$0x810 ss:$0x81] =	vst.msk $0xffff, v5;
	v2 =	vld [tilespmem:s16+$0x20]  }
0x60: {  	v0 =	vld [tilespmem:s16+$0xFFFFFFC0];
	[tilespmem:s17+$0x1020 ss:$0x81] =	vst.msk $0xffff, v6;
	s16 =	sadd.s32 $0x80, s16  }
0x61: {  	s19 =	sadd.s32 $0x4, s19;
	v1 =	vld [tilespmem:s16+$0x30];
	[tilespmem:s17+$0x1830 ss:$0x81] =	vst.msk $0xffff, v7  }
.Ltmp4:
0x62: {  	_ = 	snop;
	(pc) =	sbr.rel .LBB1_4-.Ltmp4, $1  }
0x63: {  	_ =	sdelay $0x3  }
.LBB1_6:
0x64: {  	_ =	sfence.sel $0x180000  }
0x65: {  	s2 =	simm.s32 $0x1;
	[bflag:$0x0] =	sbarrier.arrive $0xFFFF  }
0x66: {  	s31 =	simm.s32 $0x2;
	[sflag:s2] =	ssyncpa.u1 $0x1  }
0x67: {  	[sflag:s31] =	ssyncpa.u1 $0x1  }
0x68: {  	p0 =	sne.s32 s0, $0x0;
	_ =	strace $0x90000047  }
0x69: {  	s0 =	sadd.s32 @!p0 $0x100000, s1;
	[bflag:$0x2] =	sbarrier.arrive $0xFFFF  }
0x6a: {  	[sflag:s0] =	ssyncadd.tile.s32 @!p0 $0x1;
	_ =	shalt  }
.Lfunc_end1:
_tile_overlayer_lowered:
.L_overlay_start_2:
0x6b: {  	(tag) =	ssettag $0x2  }
0x6c: {  	s0 =	rddreg [dreg:$0x0];
	s2 =	stileid.u32  }
0x6d: {  	s1 =	rddreg [dreg:$0x1];
	p0 =	sne.s32 s2, $0x0  }
0x6e: {  	s3 =	rddreg [dreg:$0x2];
	[bflag:$0x3] =	sbarrier.arrive $0xFFFF;
	s2 =	simm.s32 @!p0 $0x1C01  }
0x6f: {  	[timem:s3], [sflag:s2] =	dma.local @!p0 [hbm:s0], s1  }
0x70: {  	s0 =	simm.s32 @!p0 $0x1  }
0x71: {  	_ =	swait.ge @!p0 [sflag:s0], s1  }
0x72: {  	s1 =	ssub.s32 @!p0 $0x0, s1;
	[sflag:s0] =	ssyncset.done @!p0 $0x0  }
0x73: {  	[sflag:s0] =	ssyncadd.s32 @!p0 s1  }
0x74: {  	[bflag:$0x3] =	sbarrier.arrive $0xFFFF  }
0x75: {  	_ =	shalt  }

</sc_bundles>
